<compile_context>
chip_gen: v7x
topology: tpu7x:2x2x1
jax: 0.10.2.dev20260603
libtpu: 0.0.44.dev20260713+nightly
codegen_flags: <defaults>
</compile_context>

<pallas_src>
import jax
import jax.numpy as jnp
from jax import lax
from jax.experimental import pallas as pl
from jax.experimental.pallas import tpu as pltpu
from jax.experimental.pallas import tpu_sc as plsc

N, W, D = 100000, 3, 128
NC, NS, L = 2, 16, 16
NW = NC * NS
C = 40
NBLK = -(-N // C)
BPW, BREM = divmod(NBLK, NW)
NB = 3
ROUNDS = (BPW + 1 + NB - 1) // NB
INV_W = 1.0 / W


def _body(self_hbm, neigh_hbm, out_hbm,
          sbuf0, sbuf1, sbuf2, nbuf0, nbuf1, nbuf2,
          obuf0, obuf1, obuf2,
          isem0, isem1, isem2, osem0, osem1, osem2):
    sbufs = [sbuf0, sbuf1, sbuf2]
    nbufs = [nbuf0, nbuf1, nbuf2]
    obufs = [obuf0, obuf1, obuf2]
    isems = [isem0, isem1, isem2]
    osems = [osem0, osem1, osem2]

    wid = lax.axis_index("s") * NC + lax.axis_index("c")
    base_blk = wid * BPW + jnp.minimum(wid, BREM)
    nblk = BPW + jnp.where(wid < BREM, 1, 0)

    def start_in(i, b):
        row0 = jnp.minimum((base_blk + i) * C, N - C)
        pltpu.async_copy(self_hbm.at[:, pl.ds(row0, C)], sbufs[b], isems[b])
        pltpu.async_copy(neigh_hbm.at[:, pl.ds(row0, C)], nbufs[b], isems[b])

    def wait_in(b):
        pltpu.make_async_copy(self_hbm.at[:, pl.ds(0, C)], sbufs[b],
                              isems[b]).wait()
        pltpu.make_async_copy(neigh_hbm.at[:, pl.ds(0, C)], nbufs[b],
                              isems[b]).wait()

    def start_out(i, b):
        row0 = jnp.minimum((base_blk + i) * C, N - C)
        pltpu.async_copy(obufs[b], out_hbm.at[pl.ds(row0, C)], osems[b])

    def wait_out(b):
        pltpu.make_async_copy(obufs[b], out_hbm.at[pl.ds(0, C)], osems[b]).wait()

    def compute(b):
        sbuf, nbuf, obuf = sbufs[b], nbufs[b], obufs[b]

        @plsc.parallel_loop(0, C)
        def rowloop(r):
            vals = []
            for j in range(D // L):
                o = j * L
                vals.append((sbuf[0, r, pl.ds(o, L)], sbuf[1, r, pl.ds(o, L)],
                             sbuf[2, r, pl.ds(o, L)], nbuf[0, r, pl.ds(o, L)],
                             nbuf[1, r, pl.ds(o, L)], nbuf[2, r, pl.ds(o, L)]))
            res = []
            for (s0, s1, s2, n0, n1, n2) in vals:
                acc = s0
                res.append(jnp.maximum(acc * jnp.float32(INV_W),
                                       jnp.float32(0.0)))
            for j, v in enumerate(res):
                obuf[r, pl.ds(j * L, L)] = v

    for b in range(NB):
        start_in(b, b)

    def round_(rr, carry):
        for b in range(NB):
            i = rr * NB + b

            @pl.when(i < nblk)
            def _():
                wait_in(b)

                @pl.when(i >= NB)
                def _():
                    wait_out(b)

                compute(b)
                start_out(i, b)

                @pl.when(i + NB < nblk)
                def _():
                    start_in(i + NB, b)

        return carry

    lax.fori_loop(0, ROUNDS, round_, 0)

    for b in range(NB):
        wait_out(b)


@jax.jit
def kernel(self_vecs, neigh_vecs):
    mesh = plsc.VectorSubcoreMesh(core_axis_name="c", subcore_axis_name="s")
    k = pl.kernel(
        _body,
        mesh=mesh,
        out_type=jax.ShapeDtypeStruct((N, D), jnp.float32),
        scratch_types=(
            [pltpu.VMEM((W, C, D), jnp.float32)] * (2 * NB)
            + [pltpu.VMEM((C, D), jnp.float32)] * NB
            + [pltpu.SemaphoreType.DMA] * (2 * NB)
        ),
    )
    return k(jnp.transpose(self_vecs, (1, 0, 2)),
             jnp.transpose(neigh_vecs, (1, 0, 2)))

# --- scband reference (transcript-rebuilt; emitter-appended) ---
"""Pipeline reference for scband-controller-core-80049600463248 (READ-ONLY COPY).

The authoritative reference and input builder live on the scoring server;
editing this copy changes nothing except your own understanding.
"""

import jax, jax.numpy as jnp
import numpy as np

N = 100000
W = 3
D = 128

def setup_inputs(seed: int = 0) -> dict:
    key = jax.random.key(seed)
    k1, k2 = jax.random.split(key)
    self_vecs = jax.random.normal(k1, (N, W, D), dtype=jnp.float32)
    neigh_vecs = jax.random.normal(k2, (N, W, D), dtype=jnp.float32)
    return {"self_vecs": self_vecs, "neigh_vecs": neigh_vecs}

def reference(self_vecs, neigh_vecs):
    # Faithful translation of MeanAggregator.aggwithoutpara with concat=False, act=relu
    neigh_means = jnp.mean(neigh_vecs, axis=1)
    from_self = jnp.mean(self_vecs, axis=1)
    output = from_self + neigh_means  # tf.add_n([from_self, from_neighs])
    return jax.nn.relu(output)

if __name__ == "__main__":
    import jax
    _d = setup_inputs()
    print(jax.jit(kernel)(*tuple(_d.values())))

</pallas_src>

<mosaic_0001>
#map = affine_map<(d0, d1) -> (0, 0, 0)>
#map1 = affine_map<(d0, d1) -> (0, 0)>
module attributes {stable_mosaic.version = 14 : i64} {
  func.func @_body(%arg0: i32, %arg1: i32, %arg2: memref<3x100000x128xf32, #tpu.memory_space<hbm>>, %arg3: memref<3x100000x128xf32, #tpu.memory_space<hbm>>, %arg4: memref<100000x128xf32, #tpu.memory_space<hbm>>, %arg5: memref<3x40x128xf32, #tpu.memory_space<vmem>>, %arg6: memref<3x40x128xf32, #tpu.memory_space<vmem>>, %arg7: memref<3x40x128xf32, #tpu.memory_space<vmem>>, %arg8: memref<3x40x128xf32, #tpu.memory_space<vmem>>, %arg9: memref<3x40x128xf32, #tpu.memory_space<vmem>>, %arg10: memref<3x40x128xf32, #tpu.memory_space<vmem>>, %arg11: memref<40x128xf32, #tpu.memory_space<vmem>>, %arg12: memref<40x128xf32, #tpu.memory_space<vmem>>, %arg13: memref<40x128xf32, #tpu.memory_space<vmem>>, %arg14: memref<!tpu.dma_semaphore, #tpu.memory_space<semaphore_mem>>, %arg15: memref<!tpu.dma_semaphore, #tpu.memory_space<semaphore_mem>>, %arg16: memref<!tpu.dma_semaphore, #tpu.memory_space<semaphore_mem>>, %arg17: memref<!tpu.dma_semaphore, #tpu.memory_space<semaphore_mem>>, %arg18: memref<!tpu.dma_semaphore, #tpu.memory_space<semaphore_mem>>, %arg19: memref<!tpu.dma_semaphore, #tpu.memory_space<semaphore_mem>>) attributes {dimension_semantics = [#tpu.dimension_semantics<core_parallel>, #tpu.dimension_semantics<subcore_parallel>], iteration_bounds = array<i64: 2, 16>, scalar_prefetch = 0 : i64, scratch_operands = 15 : i64, tpu.core_type = #tpu.core_type<sc_vector_subcore>, window_params = [{transform_indices = #map}, {transform_indices = #map}, {transform_indices = #map1}]} {
    %mul3A = arith.constant 2 : i32
    %mul3A_0 = arith.muli %arg1, %mul3A : i32
    %add3A = arith.addi %mul3A_0, %arg0 : i32
    %mul3A_1 = arith.constant 78 : i32
    %mul3A_2 = arith.muli %add3A, %mul3A_1 : i32
    %min3A = arith.constant 4 : i32
    %min3A_3 = arith.minsi %add3A, %min3A : i32
    %add3A_4 = arith.addi %mul3A_2, %min3A_3 : i32
    %lt3A = arith.constant 4 : i32
    %lt3A_5 = arith.cmpi slt, %add3A, %lt3A : i32
    %jit3A = arith.constant 1 : i32
    %jit3A_6 = arith.constant 0 : i32
    %select_n3A = arith.select %lt3A_5, %jit3A, %jit3A_6 : i32
    %add3A_7 = arith.constant 78 : i32
    %add3A_8 = arith.addi %add3A_7, %select_n3A : i32
    %add3A_9 = arith.constant 0 : i32
    %add3A_10 = arith.addi %add3A_4, %add3A_9 : i32
    %mul3A_11 = arith.constant 40 : i32
    %mul3A_12 = arith.muli %add3A_10, %mul3A_11 : i32
    %min3A_13 = arith.constant 99960 : i32
    %min3A_14 = arith.minsi %mul3A_12, %min3A_13 : i32
    %dma_start3A = arith.constant 0 : i32
    %dma_start3A_15 = arith.constant 0 : i32
    %dma_start3A_16 = tpu.memref_slice %arg2[%dma_start3A, %min3A_14, %dma_start3A_15] : memref<3x100000x128xf32, #tpu.memory_space<hbm>> -> memref<3x40x128xf32, #tpu.memory_space<hbm>>
    %dma_start3A_17 = arith.constant 0 : i32
    %dma_start3A_18 = arith.constant 0 : i32
    %dma_start3A_19 = tpu.memref_slice %arg2[%dma_start3A_17, %min3A_14, %dma_start3A_18] : memref<3x100000x128xf32, #tpu.memory_space<hbm>> -> memref<3x40x128xf32, #tpu.memory_space<hbm>>
    tpu.enqueue_dma source(%dma_start3A_19 : memref<3x40x128xf32, #tpu.memory_space<hbm>>) target(%arg5 : memref<3x40x128xf32, #tpu.memory_space<vmem>>) target_semaphore(%arg14 : memref<!tpu.dma_semaphore, #tpu.memory_space<semaphore_mem>>)
    %dma_start3A_20 = arith.constant 0 : i32
    %dma_start3A_21 = arith.constant 0 : i32
    %dma_start3A_22 = tpu.memref_slice %arg3[%dma_start3A_20, %min3A_14, %dma_start3A_21] : memref<3x100000x128xf32, #tpu.memory_space<hbm>> -> memref<3x40x128xf32, #tpu.memory_space<hbm>>
    %dma_start3A_23 = arith.constant 0 : i32
    %dma_start3A_24 = arith.constant 0 : i32
    %dma_start3A_25 = tpu.memref_slice %arg3[%dma_start3A_23, %min3A_14, %dma_start3A_24] : memref<3x100000x128xf32, #tpu.memory_space<hbm>> -> memref<3x40x128xf32, #tpu.memory_space<hbm>>
    tpu.enqueue_dma source(%dma_start3A_25 : memref<3x40x128xf32, #tpu.memory_space<hbm>>) target(%arg8 : memref<3x40x128xf32, #tpu.memory_space<vmem>>) target_semaphore(%arg14 : memref<!tpu.dma_semaphore, #tpu.memory_space<semaphore_mem>>)
    %add3A_26 = arith.constant 1 : i32
    %add3A_27 = arith.addi %add3A_4, %add3A_26 : i32
    %mul3A_28 = arith.constant 40 : i32
    %mul3A_29 = arith.muli %add3A_27, %mul3A_28 : i32
    %min3A_30 = arith.constant 99960 : i32
    %min3A_31 = arith.minsi %mul3A_29, %min3A_30 : i32
    %dma_start3A_32 = arith.constant 0 : i32
    %dma_start3A_33 = arith.constant 0 : i32
    %dma_start3A_34 = tpu.memref_slice %arg2[%dma_start3A_32, %min3A_31, %dma_start3A_33] : memref<3x100000x128xf32, #tpu.memory_space<hbm>> -> memref<3x40x128xf32, #tpu.memory_space<hbm>>
    %dma_start3A_35 = arith.constant 0 : i32
    %dma_start3A_36 = arith.constant 0 : i32
    %dma_start3A_37 = tpu.memref_slice %arg2[%dma_start3A_35, %min3A_31, %dma_start3A_36] : memref<3x100000x128xf32, #tpu.memory_space<hbm>> -> memref<3x40x128xf32, #tpu.memory_space<hbm>>
    tpu.enqueue_dma source(%dma_start3A_37 : memref<3x40x128xf32, #tpu.memory_space<hbm>>) target(%arg6 : memref<3x40x128xf32, #tpu.memory_space<vmem>>) target_semaphore(%arg15 : memref<!tpu.dma_semaphore, #tpu.memory_space<semaphore_mem>>)
    %dma_start3A_38 = arith.constant 0 : i32
    %dma_start3A_39 = arith.constant 0 : i32
    %dma_start3A_40 = tpu.memref_slice %arg3[%dma_start3A_38, %min3A_31, %dma_start3A_39] : memref<3x100000x128xf32, #tpu.memory_space<hbm>> -> memref<3x40x128xf32, #tpu.memory_space<hbm>>
    %dma_start3A_41 = arith.constant 0 : i32
    %dma_start3A_42 = arith.constant 0 : i32
    %dma_start3A_43 = tpu.memref_slice %arg3[%dma_start3A_41, %min3A_31, %dma_start3A_42] : memref<3x100000x128xf32, #tpu.memory_space<hbm>> -> memref<3x40x128xf32, #tpu.memory_space<hbm>>
    tpu.enqueue_dma source(%dma_start3A_43 : memref<3x40x128xf32, #tpu.memory_space<hbm>>) target(%arg9 : memref<3x40x128xf32, #tpu.memory_space<vmem>>) target_semaphore(%arg15 : memref<!tpu.dma_semaphore, #tpu.memory_space<semaphore_mem>>)
    %add3A_44 = arith.constant 2 : i32
    %add3A_45 = arith.addi %add3A_4, %add3A_44 : i32
    %mul3A_46 = arith.constant 40 : i32
    %mul3A_47 = arith.muli %add3A_45, %mul3A_46 : i32
    %min3A_48 = arith.constant 99960 : i32
    %min3A_49 = arith.minsi %mul3A_47, %min3A_48 : i32
    %dma_start3A_50 = arith.constant 0 : i32
    %dma_start3A_51 = arith.constant 0 : i32
    %dma_start3A_52 = tpu.memref_slice %arg2[%dma_start3A_50, %min3A_49, %dma_start3A_51] : memref<3x100000x128xf32, #tpu.memory_space<hbm>> -> memref<3x40x128xf32, #tpu.memory_space<hbm>>
    %dma_start3A_53 = arith.constant 0 : i32
    %dma_start3A_54 = arith.constant 0 : i32
    %dma_start3A_55 = tpu.memref_slice %arg2[%dma_start3A_53, %min3A_49, %dma_start3A_54] : memref<3x100000x128xf32, #tpu.memory_space<hbm>> -> memref<3x40x128xf32, #tpu.memory_space<hbm>>
    tpu.enqueue_dma source(%dma_start3A_55 : memref<3x40x128xf32, #tpu.memory_space<hbm>>) target(%arg7 : memref<3x40x128xf32, #tpu.memory_space<vmem>>) target_semaphore(%arg16 : memref<!tpu.dma_semaphore, #tpu.memory_space<semaphore_mem>>)
    %dma_start3A_56 = arith.constant 0 : i32
    %dma_start3A_57 = arith.constant 0 : i32
    %dma_start3A_58 = tpu.memref_slice %arg3[%dma_start3A_56, %min3A_49, %dma_start3A_57] : memref<3x100000x128xf32, #tpu.memory_space<hbm>> -> memref<3x40x128xf32, #tpu.memory_space<hbm>>
    %dma_start3A_59 = arith.constant 0 : i32
    %dma_start3A_60 = arith.constant 0 : i32
    %dma_start3A_61 = tpu.memref_slice %arg3[%dma_start3A_59, %min3A_49, %dma_start3A_60] : memref<3x100000x128xf32, #tpu.memory_space<hbm>> -> memref<3x40x128xf32, #tpu.memory_space<hbm>>
    tpu.enqueue_dma source(%dma_start3A_61 : memref<3x40x128xf32, #tpu.memory_space<hbm>>) target(%arg10 : memref<3x40x128xf32, #tpu.memory_space<vmem>>) target_semaphore(%arg16 : memref<!tpu.dma_semaphore, #tpu.memory_space<semaphore_mem>>)
    %scan3A = arith.constant 0 : i32
    %scan3A_62 = arith.constant 0 : i32
    %scan3A_63 = arith.constant 27 : i32
    %scan3A_64 = arith.addi %scan3A_62, %scan3A_63 : i32
    %scan3A_65 = arith.constant 1 : i32
    scf.for %scan3A_84 = %scan3A_62 to %scan3A_64 step %scan3A_65  : i32 {
      %mul3A_85 = arith.constant 3 : i32
      %mul3A_86 = arith.muli %scan3A_84, %mul3A_85 : i32
      %add3A_87 = arith.constant 0 : i32
      %add3A_88 = arith.addi %mul3A_86, %add3A_87 : i32
      %lt3A_89 = arith.cmpi slt, %add3A_88, %add3A_8 : i32
      %convert_element_type3A = arith.extui %lt3A_89 : i1 to i32
      %cond3A = arith.constant 0 : i32
      %cond3A_90 = arith.cmpi ne, %convert_element_type3A, %cond3A : i32
      scf.if %cond3A_90 {
        %dma_wait3A_107 = arith.constant 0 : i32
        %dma_wait3A_108 = arith.constant 0 : i32
        %dma_wait3A_109 = arith.constant 0 : i32
        %dma_wait3A_110 = tpu.memref_slice %arg2[%dma_wait3A_107, %dma_wait3A_108, %dma_wait3A_109] : memref<3x100000x128xf32, #tpu.memory_space<hbm>> -> memref<3x40x128xf32, #tpu.memory_space<hbm>>
        %dma_wait3A_111 = arith.constant 0 : i32
        %dma_wait3A_112 = arith.constant 0 : i32
        %dma_wait3A_113 = arith.constant 0 : i32
        %dma_wait3A_114 = tpu.memref_slice %arg2[%dma_wait3A_111, %dma_wait3A_112, %dma_wait3A_113] : memref<3x100000x128xf32, #tpu.memory_space<hbm>> -> memref<3x40x128xf32, #tpu.memory_space<hbm>>
        tpu.wait_dma2 semaphore(%arg14 : memref<!tpu.dma_semaphore, #tpu.memory_space<semaphore_mem>>) src(%dma_wait3A_114 : memref<3x40x128xf32, #tpu.memory_space<hbm>>) dst(%arg5 : memref<3x40x128xf32, #tpu.memory_space<vmem>>)
        %dma_wait3A_115 = arith.constant 0 : i32
        %dma_wait3A_116 = arith.constant 0 : i32
        %dma_wait3A_117 = arith.constant 0 : i32
        %dma_wait3A_118 = tpu.memref_slice %arg3[%dma_wait3A_115, %dma_wait3A_116, %dma_wait3A_117] : memref<3x100000x128xf32, #tpu.memory_space<hbm>> -> memref<3x40x128xf32, #tpu.memory_space<hbm>>
        %dma_wait3A_119 = arith.constant 0 : i32
        %dma_wait3A_120 = arith.constant 0 : i32
        %dma_wait3A_121 = arith.constant 0 : i32
        %dma_wait3A_122 = tpu.memref_slice %arg3[%dma_wait3A_119, %dma_wait3A_120, %dma_wait3A_121] : memref<3x100000x128xf32, #tpu.memory_space<hbm>> -> memref<3x40x128xf32, #tpu.memory_space<hbm>>
        tpu.wait_dma2 semaphore(%arg14 : memref<!tpu.dma_semaphore, #tpu.memory_space<semaphore_mem>>) src(%dma_wait3A_122 : memref<3x40x128xf32, #tpu.memory_space<hbm>>) dst(%arg8 : memref<3x40x128xf32, #tpu.memory_space<vmem>>)
        %ge3A = arith.constant 3 : i32
        %ge3A_123 = arith.cmpi sge, %add3A_88, %ge3A : i32
        %convert_element_type3A_124 = arith.extui %ge3A_123 : i1 to i32
        %cond3A_125 = arith.constant 0 : i32
        %cond3A_126 = arith.cmpi ne, %convert_element_type3A_124, %cond3A_125 : i32
        scf.if %cond3A_126 {
          %dma_wait3A_144 = arith.constant 0 : i32
          %dma_wait3A_145 = arith.constant 0 : i32
          %dma_wait3A_146 = tpu.memref_slice %arg4[%dma_wait3A_144, %dma_wait3A_145] : memref<100000x128xf32, #tpu.memory_space<hbm>> -> memref<40x128xf32, #tpu.memory_space<hbm>>
          %dma_wait3A_147 = arith.constant 0 : i32
          %dma_wait3A_148 = arith.constant 0 : i32
          %dma_wait3A_149 = tpu.memref_slice %arg4[%dma_wait3A_147, %dma_wait3A_148] : memref<100000x128xf32, #tpu.memory_space<hbm>> -> memref<40x128xf32, #tpu.memory_space<hbm>>
          tpu.wait_dma2 semaphore(%arg17 : memref<!tpu.dma_semaphore, #tpu.memory_space<semaphore_mem>>) src(%arg11 : memref<40x128xf32, #tpu.memory_space<vmem>>) dst(%dma_wait3A_149 : memref<40x128xf32, #tpu.memory_space<hbm>>)
        } else {
        }
        %parallel_loop3A = arith.constant 0 : i32
        %parallel_loop3A_127 = arith.constant 40 : i32
        %parallel_loop3A_128 = arith.constant 1 : i32
        scf.for %parallel_loop3A_144 = %parallel_loop3A to %parallel_loop3A_127 step %parallel_loop3A_128  : i32 {
          %parallel_loop3A_145 = arith.constant 0 : i32
          %parallel_loop3A_146 = arith.index_cast %parallel_loop3A_145 : i32 to index
          %parallel_loop3A_147 = arith.index_cast %parallel_loop3A_144 : i32 to index
          %parallel_loop3A_148 = arith.constant 0 : index
          %parallel_loop3A_149 = tpu.vector_load %arg5[%parallel_loop3A_146, %parallel_loop3A_147, %parallel_loop3A_148] {strides = array<i32>} : memref<3x40x128xf32, #tpu.memory_space<vmem>>, vector<1x1x16xf32>,
          %parallel_loop3A_150 = vector.shape_cast %parallel_loop3A_149 : vector<1x1x16xf32> to vector<16xf32>
          %parallel_loop3A_151 = arith.constant 1 : i32
          %parallel_loop3A_152 = arith.index_cast %parallel_loop3A_151 : i32 to index
          %parallel_loop3A_153 = arith.index_cast %parallel_loop3A_144 : i32 to index
          %parallel_loop3A_154 = arith.constant 0 : index
          %parallel_loop3A_155 = tpu.vector_load %arg5[%parallel_loop3A_152, %parallel_loop3A_153, %parallel_loop3A_154] {strides = array<i32>} : memref<3x40x128xf32, #tpu.memory_space<vmem>>, vector<1x1x16xf32>,
          %parallel_loop3A_156 = vector.shape_cast %parallel_loop3A_155 : vector<1x1x16xf32> to vector<16xf32>
          %parallel_loop3A_157 = arith.constant 2 : i32
          %parallel_loop3A_158 = arith.index_cast %parallel_loop3A_157 : i32 to index
          %parallel_loop3A_159 = arith.index_cast %parallel_loop3A_144 : i32 to index
          %parallel_loop3A_160 = arith.constant 0 : index
          %parallel_loop3A_161 = tpu.vector_load %arg5[%parallel_loop3A_158, %parallel_loop3A_159, %parallel_loop3A_160] {strides = array<i32>} : memref<3x40x128xf32, #tpu.memory_space<vmem>>, vector<1x1x16xf32>,
          %parallel_loop3A_162 = vector.shape_cast %parallel_loop3A_161 : vector<1x1x16xf32> to vector<16xf32>
          %parallel_loop3A_163 = arith.constant 0 : i32
          %parallel_loop3A_164 = arith.index_cast %parallel_loop3A_163 : i32 to index
          %parallel_loop3A_165 = arith.index_cast %parallel_loop3A_144 : i32 to index
          %parallel_loop3A_166 = arith.constant 0 : index
          %parallel_loop3A_167 = tpu.vector_load %arg8[%parallel_loop3A_164, %parallel_loop3A_165, %parallel_loop3A_166] {strides = array<i32>} : memref<3x40x128xf32, #tpu.memory_space<vmem>>, vector<1x1x16xf32>,
          %parallel_loop3A_168 = vector.shape_cast %parallel_loop3A_167 : vector<1x1x16xf32> to vector<16xf32>
          %parallel_loop3A_169 = arith.constant 1 : i32
          %parallel_loop3A_170 = arith.index_cast %parallel_loop3A_169 : i32 to index
          %parallel_loop3A_171 = arith.index_cast %parallel_loop3A_144 : i32 to index
          %parallel_loop3A_172 = arith.constant 0 : index
          %parallel_loop3A_173 = tpu.vector_load %arg8[%parallel_loop3A_170, %parallel_loop3A_171, %parallel_loop3A_172] {strides = array<i32>} : memref<3x40x128xf32, #tpu.memory_space<vmem>>, vector<1x1x16xf32>,
          %parallel_loop3A_174 = vector.shape_cast %parallel_loop3A_173 : vector<1x1x16xf32> to vector<16xf32>
          %parallel_loop3A_175 = arith.constant 2 : i32
          %parallel_loop3A_176 = arith.index_cast %parallel_loop3A_175 : i32 to index
          %parallel_loop3A_177 = arith.index_cast %parallel_loop3A_144 : i32 to index
          %parallel_loop3A_178 = arith.constant 0 : index
          %parallel_loop3A_179 = tpu.vector_load %arg8[%parallel_loop3A_176, %parallel_loop3A_177, %parallel_loop3A_178] {strides = array<i32>} : memref<3x40x128xf32, #tpu.memory_space<vmem>>, vector<1x1x16xf32>,
          %parallel_loop3A_180 = vector.shape_cast %parallel_loop3A_179 : vector<1x1x16xf32> to vector<16xf32>
          %parallel_loop3A_181 = arith.constant 0 : i32
          %parallel_loop3A_182 = arith.index_cast %parallel_loop3A_181 : i32 to index
          %parallel_loop3A_183 = arith.index_cast %parallel_loop3A_144 : i32 to index
          %parallel_loop3A_184 = arith.constant 16 : index
          %parallel_loop3A_185 = tpu.vector_load %arg5[%parallel_loop3A_182, %parallel_loop3A_183, %parallel_loop3A_184] {strides = array<i32>} : memref<3x40x128xf32, #tpu.memory_space<vmem>>, vector<1x1x16xf32>,
          %parallel_loop3A_186 = vector.shape_cast %parallel_loop3A_185 : vector<1x1x16xf32> to vector<16xf32>
          %parallel_loop3A_187 = arith.constant 1 : i32
          %parallel_loop3A_188 = arith.index_cast %parallel_loop3A_187 : i32 to index
          %parallel_loop3A_189 = arith.index_cast %parallel_loop3A_144 : i32 to index
          %parallel_loop3A_190 = arith.constant 16 : index
          %parallel_loop3A_191 = tpu.vector_load %arg5[%parallel_loop3A_188, %parallel_loop3A_189, %parallel_loop3A_190] {strides = array<i32>} : memref<3x40x128xf32, #tpu.memory_space<vmem>>, vector<1x1x16xf32>,
          %parallel_loop3A_192 = vector.shape_cast %parallel_loop3A_191 : vector<1x1x16xf32> to vector<16xf32>
          %parallel_loop3A_193 = arith.constant 2 : i32
          %parallel_loop3A_194 = arith.index_cast %parallel_loop3A_193 : i32 to index
          %parallel_loop3A_195 = arith.index_cast %parallel_loop3A_144 : i32 to index
          %parallel_loop3A_196 = arith.constant 16 : index
          %parallel_loop3A_197 = tpu.vector_load %arg5[%parallel_loop3A_194, %parallel_loop3A_195, %parallel_loop3A_196] {strides = array<i32>} : memref<3x40x128xf32, #tpu.memory_space<vmem>>, vector<1x1x16xf32>,
          %parallel_loop3A_198 = vector.shape_cast %parallel_loop3A_197 : vector<1x1x16xf32> to vector<16xf32>
          %parallel_loop3A_199 = arith.constant 0 : i32
          %parallel_loop3A_200 = arith.index_cast %parallel_loop3A_199 : i32 to index
          %parallel_loop3A_201 = arith.index_cast %parallel_loop3A_144 : i32 to index
          %parallel_loop3A_202 = arith.constant 16 : index
          %parallel_loop3A_203 = tpu.vector_load %arg8[%parallel_loop3A_200, %parallel_loop3A_201, %parallel_loop3A_202] {strides = array<i32>} : memref<3x40x128xf32, #tpu.memory_space<vmem>>, vector<1x1x16xf32>,
          %parallel_loop3A_204 = vector.shape_cast %parallel_loop3A_203 : vector<1x1x16xf32> to vector<16xf32>
          %parallel_loop3A_205 = arith.constant 1 : i32
          %parallel_loop3A_206 = arith.index_cast %parallel_loop3A_205 : i32 to index
          %parallel_loop3A_207 = arith.index_cast %parallel_loop3A_144 : i32 to index
          %parallel_loop3A_208 = arith.constant 16 : index
          %parallel_loop3A_209 = tpu.vector_load %arg8[%parallel_loop3A_206, %parallel_loop3A_207, %parallel_loop3A_208] {strides = array<i32>} : memref<3x40x128xf32, #tpu.memory_space<vmem>>, vector<1x1x16xf32>,
          %parallel_loop3A_210 = vector.shape_cast %parallel_loop3A_209 : vector<1x1x16xf32> to vector<16xf32>
          %parallel_loop3A_211 = arith.constant 2 : i32
          %parallel_loop3A_212 = arith.index_cast %parallel_loop3A_211 : i32 to index
          %parallel_loop3A_213 = arith.index_cast %parallel_loop3A_144 : i32 to index
          %parallel_loop3A_214 = arith.constant 16 : index
          %parallel_loop3A_215 = tpu.vector_load %arg8[%parallel_loop3A_212, %parallel_loop3A_213, %parallel_loop3A_214] {strides = array<i32>} : memref<3x40x128xf32, #tpu.memory_space<vmem>>, vector<1x1x16xf32>,
          %parallel_loop3A_216 = vector.shape_cast %parallel_loop3A_215 : vector<1x1x16xf32> to vector<16xf32>
          %parallel_loop3A_217 = arith.constant 0 : i32
          %parallel_loop3A_218 = arith.index_cast %parallel_loop3A_217 : i32 to index
          %parallel_loop3A_219 = arith.index_cast %parallel_loop3A_144 : i32 to index
          %parallel_loop3A_220 = arith.constant 32 : index
          %parallel_loop3A_221 = tpu.vector_load %arg5[%parallel_loop3A_218, %parallel_loop3A_219, %parallel_loop3A_220] {strides = array<i32>} : memref<3x40x128xf32, #tpu.memory_space<vmem>>, vector<1x1x16xf32>,
          %parallel_loop3A_222 = vector.shape_cast %parallel_loop3A_221 : vector<1x1x16xf32> to vector<16xf32>
          %parallel_loop3A_223 = arith.constant 1 : i32
          %parallel_loop3A_224 = arith.index_cast %parallel_loop3A_223 : i32 to index
          %parallel_loop3A_225 = arith.index_cast %parallel_loop3A_144 : i32 to index
          %parallel_loop3A_226 = arith.constant 32 : index
          %parallel_loop3A_227 = tpu.vector_load %arg5[%parallel_loop3A_224, %parallel_loop3A_225, %parallel_loop3A_226] {strides = array<i32>} : memref<3x40x128xf32, #tpu.memory_space<vmem>>, vector<1x1x16xf32>,
          %parallel_loop3A_228 = vector.shape_cast %parallel_loop3A_227 : vector<1x1x16xf32> to vector<16xf32>
          %parallel_loop3A_229 = arith.constant 2 : i32
          %parallel_loop3A_230 = arith.index_cast %parallel_loop3A_229 : i32 to index
          %parallel_loop3A_231 = arith.index_cast %parallel_loop3A_144 : i32 to index
          %parallel_loop3A_232 = arith.constant 32 : index
          %parallel_loop3A_233 = tpu.vector_load %arg5[%parallel_loop3A_230, %parallel_loop3A_231, %parallel_loop3A_232] {strides = array<i32>} : memref<3x40x128xf32, #tpu.memory_space<vmem>>, vector<1x1x16xf32>,
          %parallel_loop3A_234 = vector.shape_cast %parallel_loop3A_233 : vector<1x1x16xf32> to vector<16xf32>
          %parallel_loop3A_235 = arith.constant 0 : i32
          %parallel_loop3A_236 = arith.index_cast %parallel_loop3A_235 : i32 to index
          %parallel_loop3A_237 = arith.index_cast %parallel_loop3A_144 : i32 to index
          %parallel_loop3A_238 = arith.constant 32 : index
          %parallel_loop3A_239 = tpu.vector_load %arg8[%parallel_loop3A_236, %parallel_loop3A_237, %parallel_loop3A_238] {strides = array<i32>} : memref<3x40x128xf32, #tpu.memory_space<vmem>>, vector<1x1x16xf32>,
          %parallel_loop3A_240 = vector.shape_cast %parallel_loop3A_239 : vector<1x1x16xf32> to vector<16xf32>
          %parallel_loop3A_241 = arith.constant 1 : i32
          %parallel_loop3A_242 = arith.index_cast %parallel_loop3A_241 : i32 to index
          %parallel_loop3A_243 = arith.index_cast %parallel_loop3A_144 : i32 to index
          %parallel_loop3A_244 = arith.constant 32 : index
          %parallel_loop3A_245 = tpu.vector_load %arg8[%parallel_loop3A_242, %parallel_loop3A_243, %parallel_loop3A_244] {strides = array<i32>} : memref<3x40x128xf32, #tpu.memory_space<vmem>>, vector<1x1x16xf32>,
          %parallel_loop3A_246 = vector.shape_cast %parallel_loop3A_245 : vector<1x1x16xf32> to vector<16xf32>
          %parallel_loop3A_247 = arith.constant 2 : i32
          %parallel_loop3A_248 = arith.index_cast %parallel_loop3A_247 : i32 to index
          %parallel_loop3A_249 = arith.index_cast %parallel_loop3A_144 : i32 to index
          %parallel_loop3A_250 = arith.constant 32 : index
          %parallel_loop3A_251 = tpu.vector_load %arg8[%parallel_loop3A_248, %parallel_loop3A_249, %parallel_loop3A_250] {strides = array<i32>} : memref<3x40x128xf32, #tpu.memory_space<vmem>>, vector<1x1x16xf32>,
          %parallel_loop3A_252 = vector.shape_cast %parallel_loop3A_251 : vector<1x1x16xf32> to vector<16xf32>
          %parallel_loop3A_253 = arith.constant 0 : i32
          %parallel_loop3A_254 = arith.index_cast %parallel_loop3A_253 : i32 to index
          %parallel_loop3A_255 = arith.index_cast %parallel_loop3A_144 : i32 to index
          %parallel_loop3A_256 = arith.constant 48 : index
          %parallel_loop3A_257 = tpu.vector_load %arg5[%parallel_loop3A_254, %parallel_loop3A_255, %parallel_loop3A_256] {strides = array<i32>} : memref<3x40x128xf32, #tpu.memory_space<vmem>>, vector<1x1x16xf32>,
          %parallel_loop3A_258 = vector.shape_cast %parallel_loop3A_257 : vector<1x1x16xf32> to vector<16xf32>
          %parallel_loop3A_259 = arith.constant 1 : i32
          %parallel_loop3A_260 = arith.index_cast %parallel_loop3A_259 : i32 to index
          %parallel_loop3A_261 = arith.index_cast %parallel_loop3A_144 : i32 to index
          %parallel_loop3A_262 = arith.constant 48 : index
          %parallel_loop3A_263 = tpu.vector_load %arg5[%parallel_loop3A_260, %parallel_loop3A_261, %parallel_loop3A_262] {strides = array<i32>} : memref<3x40x128xf32, #tpu.memory_space<vmem>>, vector<1x1x16xf32>,
          %parallel_loop3A_264 = vector.shape_cast %parallel_loop3A_263 : vector<1x1x16xf32> to vector<16xf32>
          %parallel_loop3A_265 = arith.constant 2 : i32
          %parallel_loop3A_266 = arith.index_cast %parallel_loop3A_265 : i32 to index
          %parallel_loop3A_267 = arith.index_cast %parallel_loop3A_144 : i32 to index
          %parallel_loop3A_268 = arith.constant 48 : index
          %parallel_loop3A_269 = tpu.vector_load %arg5[%parallel_loop3A_266, %parallel_loop3A_267, %parallel_loop3A_268] {strides = array<i32>} : memref<3x40x128xf32, #tpu.memory_space<vmem>>, vector<1x1x16xf32>,
          %parallel_loop3A_270 = vector.shape_cast %parallel_loop3A_269 : vector<1x1x16xf32> to vector<16xf32>
          %parallel_loop3A_271 = arith.constant 0 : i32
          %parallel_loop3A_272 = arith.index_cast %parallel_loop3A_271 : i32 to index
          %parallel_loop3A_273 = arith.index_cast %parallel_loop3A_144 : i32 to index
          %parallel_loop3A_274 = arith.constant 48 : index
          %parallel_loop3A_275 = tpu.vector_load %arg8[%parallel_loop3A_272, %parallel_loop3A_273, %parallel_loop3A_274] {strides = array<i32>} : memref<3x40x128xf32, #tpu.memory_space<vmem>>, vector<1x1x16xf32>,
          %parallel_loop3A_276 = vector.shape_cast %parallel_loop3A_275 : vector<1x1x16xf32> to vector<16xf32>
          %parallel_loop3A_277 = arith.constant 1 : i32
          %parallel_loop3A_278 = arith.index_cast %parallel_loop3A_277 : i32 to index
          %parallel_loop3A_279 = arith.index_cast %parallel_loop3A_144 : i32 to index
          %parallel_loop3A_280 = arith.constant 48 : index
          %parallel_loop3A_281 = tpu.vector_load %arg8[%parallel_loop3A_278, %parallel_loop3A_279, %parallel_loop3A_280] {strides = array<i32>} : memref<3x40x128xf32, #tpu.memory_space<vmem>>, vector<1x1x16xf32>,
          %parallel_loop3A_282 = vector.shape_cast %parallel_loop3A_281 : vector<1x1x16xf32> to vector<16xf32>
          %parallel_loop3A_283 = arith.constant 2 : i32
          %parallel_loop3A_284 = arith.index_cast %parallel_loop3A_283 : i32 to index
          %parallel_loop3A_285 = arith.index_cast %parallel_loop3A_144 : i32 to index
          %parallel_loop3A_286 = arith.constant 48 : index
          %parallel_loop3A_287 = tpu.vector_load %arg8[%parallel_loop3A_284, %parallel_loop3A_285, %parallel_loop3A_286] {strides = array<i32>} : memref<3x40x128xf32, #tpu.memory_space<vmem>>, vector<1x1x16xf32>,
          %parallel_loop3A_288 = vector.shape_cast %parallel_loop3A_287 : vector<1x1x16xf32> to vector<16xf32>
          %parallel_loop3A_289 = arith.constant 0 : i32
          %parallel_loop3A_290 = arith.index_cast %parallel_loop3A_289 : i32 to index
          %parallel_loop3A_291 = arith.index_cast %parallel_loop3A_144 : i32 to index
          %parallel_loop3A_292 = arith.constant 64 : index
          %parallel_loop3A_293 = tpu.vector_load %arg5[%parallel_loop3A_290, %parallel_loop3A_291, %parallel_loop3A_292] {strides = array<i32>} : memref<3x40x128xf32, #tpu.memory_space<vmem>>, vector<1x1x16xf32>,
          %parallel_loop3A_294 = vector.shape_cast %parallel_loop3A_293 : vector<1x1x16xf32> to vector<16xf32>
          %parallel_loop3A_295 = arith.constant 1 : i32
          %parallel_loop3A_296 = arith.index_cast %parallel_loop3A_295 : i32 to index
          %parallel_loop3A_297 = arith.index_cast %parallel_loop3A_144 : i32 to index
          %parallel_loop3A_298 = arith.constant 64 : index
          %parallel_loop3A_299 = tpu.vector_load %arg5[%parallel_loop3A_296, %parallel_loop3A_297, %parallel_loop3A_298] {strides = array<i32>} : memref<3x40x128xf32, #tpu.memory_space<vmem>>, vector<1x1x16xf32>,
          %parallel_loop3A_300 = vector.shape_cast %parallel_loop3A_299 : vector<1x1x16xf32> to vector<16xf32>
          %parallel_loop3A_301 = arith.constant 2 : i32
          %parallel_loop3A_302 = arith.index_cast %parallel_loop3A_301 : i32 to index
          %parallel_loop3A_303 = arith.index_cast %parallel_loop3A_144 : i32 to index
          %parallel_loop3A_304 = arith.constant 64 : index
          %parallel_loop3A_305 = tpu.vector_load %arg5[%parallel_loop3A_302, %parallel_loop3A_303, %parallel_loop3A_304] {strides = array<i32>} : memref<3x40x128xf32, #tpu.memory_space<vmem>>, vector<1x1x16xf32>,
          %parallel_loop3A_306 = vector.shape_cast %parallel_loop3A_305 : vector<1x1x16xf32> to vector<16xf32>
          %parallel_loop3A_307 = arith.constant 0 : i32
          %parallel_loop3A_308 = arith.index_cast %parallel_loop3A_307 : i32 to index
          %parallel_loop3A_309 = arith.index_cast %parallel_loop3A_144 : i32 to index
          %parallel_loop3A_310 = arith.constant 64 : index
          %parallel_loop3A_311 = tpu.vector_load %arg8[%parallel_loop3A_308, %parallel_loop3A_309, %parallel_loop3A_310] {strides = array<i32>} : memref<3x40x128xf32, #tpu.memory_space<vmem>>, vector<1x1x16xf32>,
          %parallel_loop3A_312 = vector.shape_cast %parallel_loop3A_311 : vector<1x1x16xf32> to vector<16xf32>
          %parallel_loop3A_313 = arith.constant 1 : i32
          %parallel_loop3A_314 = arith.index_cast %parallel_loop3A_313 : i32 to index
          %parallel_loop3A_315 = arith.index_cast %parallel_loop3A_144 : i32 to index
          %parallel_loop3A_316 = arith.constant 64 : index
          %parallel_loop3A_317 = tpu.vector_load %arg8[%parallel_loop3A_314, %parallel_loop3A_315, %parallel_loop3A_316] {strides = array<i32>} : memref<3x40x128xf32, #tpu.memory_space<vmem>>, vector<1x1x16xf32>,
          %parallel_loop3A_318 = vector.shape_cast %parallel_loop3A_317 : vector<1x1x16xf32> to vector<16xf32>
          %parallel_loop3A_319 = arith.constant 2 : i32
          %parallel_loop3A_320 = arith.index_cast %parallel_loop3A_319 : i32 to index
          %parallel_loop3A_321 = arith.index_cast %parallel_loop3A_144 : i32 to index
          %parallel_loop3A_322 = arith.constant 64 : index
          %parallel_loop3A_323 = tpu.vector_load %arg8[%parallel_loop3A_320, %parallel_loop3A_321, %parallel_loop3A_322] {strides = array<i32>} : memref<3x40x128xf32, #tpu.memory_space<vmem>>, vector<1x1x16xf32>,
          %parallel_loop3A_324 = vector.shape_cast %parallel_loop3A_323 : vector<1x1x16xf32> to vector<16xf32>
          %parallel_loop3A_325 = arith.constant 0 : i32
          %parallel_loop3A_326 = arith.index_cast %parallel_loop3A_325 : i32 to index
          %parallel_loop3A_327 = arith.index_cast %parallel_loop3A_144 : i32 to index
          %parallel_loop3A_328 = arith.constant 80 : index
          %parallel_loop3A_329 = tpu.vector_load %arg5[%parallel_loop3A_326, %parallel_loop3A_327, %parallel_loop3A_328] {strides = array<i32>} : memref<3x40x128xf32, #tpu.memory_space<vmem>>, vector<1x1x16xf32>,
          %parallel_loop3A_330 = vector.shape_cast %parallel_loop3A_329 : vector<1x1x16xf32> to vector<16xf32>
          %parallel_loop3A_331 = arith.constant 1 : i32
          %parallel_loop3A_332 = arith.index_cast %parallel_loop3A_331 : i32 to index
          %parallel_loop3A_333 = arith.index_cast %parallel_loop3A_144 : i32 to index
          %parallel_loop3A_334 = arith.constant 80 : index
          %parallel_loop3A_335 = tpu.vector_load %arg5[%parallel_loop3A_332, %parallel_loop3A_333, %parallel_loop3A_334] {strides = array<i32>} : memref<3x40x128xf32, #tpu.memory_space<vmem>>, vector<1x1x16xf32>,
          %parallel_loop3A_336 = vector.shape_cast %parallel_loop3A_335 : vector<1x1x16xf32> to vector<16xf32>
          %parallel_loop3A_337 = arith.constant 2 : i32
          %parallel_loop3A_338 = arith.index_cast %parallel_loop3A_337 : i32 to index
          %parallel_loop3A_339 = arith.index_cast %parallel_loop3A_144 : i32 to index
          %parallel_loop3A_340 = arith.constant 80 : index
          %parallel_loop3A_341 = tpu.vector_load %arg5[%parallel_loop3A_338, %parallel_loop3A_339, %parallel_loop3A_340] {strides = array<i32>} : memref<3x40x128xf32, #tpu.memory_space<vmem>>, vector<1x1x16xf32>,
          %parallel_loop3A_342 = vector.shape_cast %parallel_loop3A_341 : vector<1x1x16xf32> to vector<16xf32>
          %parallel_loop3A_343 = arith.constant 0 : i32
          %parallel_loop3A_344 = arith.index_cast %parallel_loop3A_343 : i32 to index
          %parallel_loop3A_345 = arith.index_cast %parallel_loop3A_144 : i32 to index
          %parallel_loop3A_346 = arith.constant 80 : index
          %parallel_loop3A_347 = tpu.vector_load %arg8[%parallel_loop3A_344, %parallel_loop3A_345, %parallel_loop3A_346] {strides = array<i32>} : memref<3x40x128xf32, #tpu.memory_space<vmem>>, vector<1x1x16xf32>,
          %parallel_loop3A_348 = vector.shape_cast %parallel_loop3A_347 : vector<1x1x16xf32> to vector<16xf32>
          %parallel_loop3A_349 = arith.constant 1 : i32
          %parallel_loop3A_350 = arith.index_cast %parallel_loop3A_349 : i32 to index
          %parallel_loop3A_351 = arith.index_cast %parallel_loop3A_144 : i32 to index
          %parallel_loop3A_352 = arith.constant 80 : index
          %parallel_loop3A_353 = tpu.vector_load %arg8[%parallel_loop3A_350, %parallel_loop3A_351, %parallel_loop3A_352] {strides = array<i32>} : memref<3x40x128xf32, #tpu.memory_space<vmem>>, vector<1x1x16xf32>,
          %parallel_loop3A_354 = vector.shape_cast %parallel_loop3A_353 : vector<1x1x16xf32> to vector<16xf32>
          %parallel_loop3A_355 = arith.constant 2 : i32
          %parallel_loop3A_356 = arith.index_cast %parallel_loop3A_355 : i32 to index
          %parallel_loop3A_357 = arith.index_cast %parallel_loop3A_144 : i32 to index
          %parallel_loop3A_358 = arith.constant 80 : index
          %parallel_loop3A_359 = tpu.vector_load %arg8[%parallel_loop3A_356, %parallel_loop3A_357, %parallel_loop3A_358] {strides = array<i32>} : memref<3x40x128xf32, #tpu.memory_space<vmem>>, vector<1x1x16xf32>,
          %parallel_loop3A_360 = vector.shape_cast %parallel_loop3A_359 : vector<1x1x16xf32> to vector<16xf32>
          %parallel_loop3A_361 = arith.constant 0 : i32
          %parallel_loop3A_362 = arith.index_cast %parallel_loop3A_361 : i32 to index
          %parallel_loop3A_363 = arith.index_cast %parallel_loop3A_144 : i32 to index
          %parallel_loop3A_364 = arith.constant 96 : index
          %parallel_loop3A_365 = tpu.vector_load %arg5[%parallel_loop3A_362, %parallel_loop3A_363, %parallel_loop3A_364] {strides = array<i32>} : memref<3x40x128xf32, #tpu.memory_space<vmem>>, vector<1x1x16xf32>,
          %parallel_loop3A_366 = vector.shape_cast %parallel_loop3A_365 : vector<1x1x16xf32> to vector<16xf32>
          %parallel_loop3A_367 = arith.constant 1 : i32
          %parallel_loop3A_368 = arith.index_cast %parallel_loop3A_367 : i32 to index
          %parallel_loop3A_369 = arith.index_cast %parallel_loop3A_144 : i32 to index
          %parallel_loop3A_370 = arith.constant 96 : index
          %parallel_loop3A_371 = tpu.vector_load %arg5[%parallel_loop3A_368, %parallel_loop3A_369, %parallel_loop3A_370] {strides = array<i32>} : memref<3x40x128xf32, #tpu.memory_space<vmem>>, vector<1x1x16xf32>,
          %parallel_loop3A_372 = vector.shape_cast %parallel_loop3A_371 : vector<1x1x16xf32> to vector<16xf32>
          %parallel_loop3A_373 = arith.constant 2 : i32
          %parallel_loop3A_374 = arith.index_cast %parallel_loop3A_373 : i32 to index
          %parallel_loop3A_375 = arith.index_cast %parallel_loop3A_144 : i32 to index
          %parallel_loop3A_376 = arith.constant 96 : index
          %parallel_loop3A_377 = tpu.vector_load %arg5[%parallel_loop3A_374, %parallel_loop3A_375, %parallel_loop3A_376] {strides = array<i32>} : memref<3x40x128xf32, #tpu.memory_space<vmem>>, vector<1x1x16xf32>,
          %parallel_loop3A_378 = vector.shape_cast %parallel_loop3A_377 : vector<1x1x16xf32> to vector<16xf32>
          %parallel_loop3A_379 = arith.constant 0 : i32
          %parallel_loop3A_380 = arith.index_cast %parallel_loop3A_379 : i32 to index
          %parallel_loop3A_381 = arith.index_cast %parallel_loop3A_144 : i32 to index
          %parallel_loop3A_382 = arith.constant 96 : index
          %parallel_loop3A_383 = tpu.vector_load %arg8[%parallel_loop3A_380, %parallel_loop3A_381, %parallel_loop3A_382] {strides = array<i32>} : memref<3x40x128xf32, #tpu.memory_space<vmem>>, vector<1x1x16xf32>,
          %parallel_loop3A_384 = vector.shape_cast %parallel_loop3A_383 : vector<1x1x16xf32> to vector<16xf32>
          %parallel_loop3A_385 = arith.constant 1 : i32
          %parallel_loop3A_386 = arith.index_cast %parallel_loop3A_385 : i32 to index
          %parallel_loop3A_387 = arith.index_cast %parallel_loop3A_144 : i32 to index
          %parallel_loop3A_388 = arith.constant 96 : index
          %parallel_loop3A_389 = tpu.vector_load %arg8[%parallel_loop3A_386, %parallel_loop3A_387, %parallel_loop3A_388] {strides = array<i32>} : memref<3x40x128xf32, #tpu.memory_space<vmem>>, vector<1x1x16xf32>,
          %parallel_loop3A_390 = vector.shape_cast %parallel_loop3A_389 : vector<1x1x16xf32> to vector<16xf32>
          %parallel_loop3A_391 = arith.constant 2 : i32
          %parallel_loop3A_392 = arith.index_cast %parallel_loop3A_391 : i32 to index
          %parallel_loop3A_393 = arith.index_cast %parallel_loop3A_144 : i32 to index
          %parallel_loop3A_394 = arith.constant 96 : index
          %parallel_loop3A_395 = tpu.vector_load %arg8[%parallel_loop3A_392, %parallel_loop3A_393, %parallel_loop3A_394] {strides = array<i32>} : memref<3x40x128xf32, #tpu.memory_space<vmem>>, vector<1x1x16xf32>,
          %parallel_loop3A_396 = vector.shape_cast %parallel_loop3A_395 : vector<1x1x16xf32> to vector<16xf32>
          %parallel_loop3A_397 = arith.constant 0 : i32
          %parallel_loop3A_398 = arith.index_cast %parallel_loop3A_397 : i32 to index
          %parallel_loop3A_399 = arith.index_cast %parallel_loop3A_144 : i32 to index
          %parallel_loop3A_400 = arith.constant 112 : index
          %parallel_loop3A_401 = tpu.vector_load %arg5[%parallel_loop3A_398, %parallel_loop3A_399, %parallel_loop3A_400] {strides = array<i32>} : memref<3x40x128xf32, #tpu.memory_space<vmem>>, vector<1x1x16xf32>,
          %parallel_loop3A_402 = vector.shape_cast %parallel_loop3A_401 : vector<1x1x16xf32> to vector<16xf32>
          %parallel_loop3A_403 = arith.constant 1 : i32
          %parallel_loop3A_404 = arith.index_cast %parallel_loop3A_403 : i32 to index
          %parallel_loop3A_405 = arith.index_cast %parallel_loop3A_144 : i32 to index
          %parallel_loop3A_406 = arith.constant 112 : index
          %parallel_loop3A_407 = tpu.vector_load %arg5[%parallel_loop3A_404, %parallel_loop3A_405, %parallel_loop3A_406] {strides = array<i32>} : memref<3x40x128xf32, #tpu.memory_space<vmem>>, vector<1x1x16xf32>,
          %parallel_loop3A_408 = vector.shape_cast %parallel_loop3A_407 : vector<1x1x16xf32> to vector<16xf32>
          %parallel_loop3A_409 = arith.constant 2 : i32
          %parallel_loop3A_410 = arith.index_cast %parallel_loop3A_409 : i32 to index
          %parallel_loop3A_411 = arith.index_cast %parallel_loop3A_144 : i32 to index
          %parallel_loop3A_412 = arith.constant 112 : index
          %parallel_loop3A_413 = tpu.vector_load %arg5[%parallel_loop3A_410, %parallel_loop3A_411, %parallel_loop3A_412] {strides = array<i32>} : memref<3x40x128xf32, #tpu.memory_space<vmem>>, vector<1x1x16xf32>,
          %parallel_loop3A_414 = vector.shape_cast %parallel_loop3A_413 : vector<1x1x16xf32> to vector<16xf32>
          %parallel_loop3A_415 = arith.constant 0 : i32
          %parallel_loop3A_416 = arith.index_cast %parallel_loop3A_415 : i32 to index
          %parallel_loop3A_417 = arith.index_cast %parallel_loop3A_144 : i32 to index
          %parallel_loop3A_418 = arith.constant 112 : index
          %parallel_loop3A_419 = tpu.vector_load %arg8[%parallel_loop3A_416, %parallel_loop3A_417, %parallel_loop3A_418] {strides = array<i32>} : memref<3x40x128xf32, #tpu.memory_space<vmem>>, vector<1x1x16xf32>,
          %parallel_loop3A_420 = vector.shape_cast %parallel_loop3A_419 : vector<1x1x16xf32> to vector<16xf32>
          %parallel_loop3A_421 = arith.constant 1 : i32
          %parallel_loop3A_422 = arith.index_cast %parallel_loop3A_421 : i32 to index
          %parallel_loop3A_423 = arith.index_cast %parallel_loop3A_144 : i32 to index
          %parallel_loop3A_424 = arith.constant 112 : index
          %parallel_loop3A_425 = tpu.vector_load %arg8[%parallel_loop3A_422, %parallel_loop3A_423, %parallel_loop3A_424] {strides = array<i32>} : memref<3x40x128xf32, #tpu.memory_space<vmem>>, vector<1x1x16xf32>,
          %parallel_loop3A_426 = vector.shape_cast %parallel_loop3A_425 : vector<1x1x16xf32> to vector<16xf32>
          %parallel_loop3A_427 = arith.constant 2 : i32
          %parallel_loop3A_428 = arith.index_cast %parallel_loop3A_427 : i32 to index
          %parallel_loop3A_429 = arith.index_cast %parallel_loop3A_144 : i32 to index
          %parallel_loop3A_430 = arith.constant 112 : index
          %parallel_loop3A_431 = tpu.vector_load %arg8[%parallel_loop3A_428, %parallel_loop3A_429, %parallel_loop3A_430] {strides = array<i32>} : memref<3x40x128xf32, #tpu.memory_space<vmem>>, vector<1x1x16xf32>,
          %parallel_loop3A_432 = vector.shape_cast %parallel_loop3A_431 : vector<1x1x16xf32> to vector<16xf32>
          %parallel_loop3A_433 = arith.constant 0.333333343 : f32
          %parallel_loop3A_434 = vector.broadcast %parallel_loop3A_433 : f32 to vector<16xf32>
          %parallel_loop3A_435 = arith.mulf %parallel_loop3A_150, %parallel_loop3A_434 : vector<16xf32>
          %parallel_loop3A_436 = arith.constant 0.000000e+00 : f32
          %parallel_loop3A_437 = vector.broadcast %parallel_loop3A_436 : f32 to vector<16xf32>
          %parallel_loop3A_438 = arith.maximumf %parallel_loop3A_435, %parallel_loop3A_437 : vector<16xf32>
          %parallel_loop3A_439 = arith.constant 0.333333343 : f32
          %parallel_loop3A_440 = vector.broadcast %parallel_loop3A_439 : f32 to vector<16xf32>
          %parallel_loop3A_441 = arith.mulf %parallel_loop3A_186, %parallel_loop3A_440 : vector<16xf32>
          %parallel_loop3A_442 = arith.constant 0.000000e+00 : f32
          %parallel_loop3A_443 = vector.broadcast %parallel_loop3A_442 : f32 to vector<16xf32>
          %parallel_loop3A_444 = arith.maximumf %parallel_loop3A_441, %parallel_loop3A_443 : vector<16xf32>
          %parallel_loop3A_445 = arith.constant 0.333333343 : f32
          %parallel_loop3A_446 = vector.broadcast %parallel_loop3A_445 : f32 to vector<16xf32>
          %parallel_loop3A_447 = arith.mulf %parallel_loop3A_222, %parallel_loop3A_446 : vector<16xf32>
          %parallel_loop3A_448 = arith.constant 0.000000e+00 : f32
          %parallel_loop3A_449 = vector.broadcast %parallel_loop3A_448 : f32 to vector<16xf32>
          %parallel_loop3A_450 = arith.maximumf %parallel_loop3A_447, %parallel_loop3A_449 : vector<16xf32>
          %parallel_loop3A_451 = arith.constant 0.333333343 : f32
          %parallel_loop3A_452 = vector.broadcast %parallel_loop3A_451 : f32 to vector<16xf32>
          %parallel_loop3A_453 = arith.mulf %parallel_loop3A_258, %parallel_loop3A_452 : vector<16xf32>
          %parallel_loop3A_454 = arith.constant 0.000000e+00 : f32
          %parallel_loop3A_455 = vector.broadcast %parallel_loop3A_454 : f32 to vector<16xf32>
          %parallel_loop3A_456 = arith.maximumf %parallel_loop3A_453, %parallel_loop3A_455 : vector<16xf32>
          %parallel_loop3A_457 = arith.constant 0.333333343 : f32
          %parallel_loop3A_458 = vector.broadcast %parallel_loop3A_457 : f32 to vector<16xf32>
          %parallel_loop3A_459 = arith.mulf %parallel_loop3A_294, %parallel_loop3A_458 : vector<16xf32>
          %parallel_loop3A_460 = arith.constant 0.000000e+00 : f32
          %parallel_loop3A_461 = vector.broadcast %parallel_loop3A_460 : f32 to vector<16xf32>
          %parallel_loop3A_462 = arith.maximumf %parallel_loop3A_459, %parallel_loop3A_461 : vector<16xf32>
          %parallel_loop3A_463 = arith.constant 0.333333343 : f32
          %parallel_loop3A_464 = vector.broadcast %parallel_loop3A_463 : f32 to vector<16xf32>
          %parallel_loop3A_465 = arith.mulf %parallel_loop3A_330, %parallel_loop3A_464 : vector<16xf32>
          %parallel_loop3A_466 = arith.constant 0.000000e+00 : f32
          %parallel_loop3A_467 = vector.broadcast %parallel_loop3A_466 : f32 to vector<16xf32>
          %parallel_loop3A_468 = arith.maximumf %parallel_loop3A_465, %parallel_loop3A_467 : vector<16xf32>
          %parallel_loop3A_469 = arith.constant 0.333333343 : f32
          %parallel_loop3A_470 = vector.broadcast %parallel_loop3A_469 : f32 to vector<16xf32>
          %parallel_loop3A_471 = arith.mulf %parallel_loop3A_366, %parallel_loop3A_470 : vector<16xf32>
          %parallel_loop3A_472 = arith.constant 0.000000e+00 : f32
          %parallel_loop3A_473 = vector.broadcast %parallel_loop3A_472 : f32 to vector<16xf32>
          %parallel_loop3A_474 = arith.maximumf %parallel_loop3A_471, %parallel_loop3A_473 : vector<16xf32>
          %parallel_loop3A_475 = arith.constant 0.333333343 : f32
          %parallel_loop3A_476 = vector.broadcast %parallel_loop3A_475 : f32 to vector<16xf32>
          %parallel_loop3A_477 = arith.mulf %parallel_loop3A_402, %parallel_loop3A_476 : vector<16xf32>
          %parallel_loop3A_478 = arith.constant 0.000000e+00 : f32
          %parallel_loop3A_479 = vector.broadcast %parallel_loop3A_478 : f32 to vector<16xf32>
          %parallel_loop3A_480 = arith.maximumf %parallel_loop3A_477, %parallel_loop3A_479 : vector<16xf32>
          %parallel_loop3A_481 = arith.index_cast %parallel_loop3A_144 : i32 to index
          %parallel_loop3A_482 = arith.constant 0 : index
          %parallel_loop3A_483 = tpu.vector_load %arg11[%parallel_loop3A_481, %parallel_loop3A_482] {strides = array<i32>} : memref<40x128xf32, #tpu.memory_space<vmem>>, vector<1x16xf32>,
          %parallel_loop3A_484 = vector.shape_cast %parallel_loop3A_483 : vector<1x16xf32> to vector<16xf32>
          %parallel_loop3A_485 = vector.shape_cast %parallel_loop3A_438 : vector<16xf32> to vector<1x16xf32>
          tpu.vector_store %arg11[%parallel_loop3A_481, %parallel_loop3A_482], %parallel_loop3A_485 {strides = array<i32>} : memref<40x128xf32, #tpu.memory_space<vmem>>, vector<1x16xf32>,
          %parallel_loop3A_486 = arith.index_cast %parallel_loop3A_144 : i32 to index
          %parallel_loop3A_487 = arith.constant 16 : index
          %parallel_loop3A_488 = tpu.vector_load %arg11[%parallel_loop3A_486, %parallel_loop3A_487] {strides = array<i32>} : memref<40x128xf32, #tpu.memory_space<vmem>>, vector<1x16xf32>,
          %parallel_loop3A_489 = vector.shape_cast %parallel_loop3A_488 : vector<1x16xf32> to vector<16xf32>
          %parallel_loop3A_490 = vector.shape_cast %parallel_loop3A_444 : vector<16xf32> to vector<1x16xf32>
          tpu.vector_store %arg11[%parallel_loop3A_486, %parallel_loop3A_487], %parallel_loop3A_490 {strides = array<i32>} : memref<40x128xf32, #tpu.memory_space<vmem>>, vector<1x16xf32>,
          %parallel_loop3A_491 = arith.index_cast %parallel_loop3A_144 : i32 to index
          %parallel_loop3A_492 = arith.constant 32 : index
          %parallel_loop3A_493 = tpu.vector_load %arg11[%parallel_loop3A_491, %parallel_loop3A_492] {strides = array<i32>} : memref<40x128xf32, #tpu.memory_space<vmem>>, vector<1x16xf32>,
          %parallel_loop3A_494 = vector.shape_cast %parallel_loop3A_493 : vector<1x16xf32> to vector<16xf32>
          %parallel_loop3A_495 = vector.shape_cast %parallel_loop3A_450 : vector<16xf32> to vector<1x16xf32>
          tpu.vector_store %arg11[%parallel_loop3A_491, %parallel_loop3A_492], %parallel_loop3A_495 {strides = array<i32>} : memref<40x128xf32, #tpu.memory_space<vmem>>, vector<1x16xf32>,
          %parallel_loop3A_496 = arith.index_cast %parallel_loop3A_144 : i32 to index
          %parallel_loop3A_497 = arith.constant 48 : index
          %parallel_loop3A_498 = tpu.vector_load %arg11[%parallel_loop3A_496, %parallel_loop3A_497] {strides = array<i32>} : memref<40x128xf32, #tpu.memory_space<vmem>>, vector<1x16xf32>,
          %parallel_loop3A_499 = vector.shape_cast %parallel_loop3A_498 : vector<1x16xf32> to vector<16xf32>
          %parallel_loop3A_500 = vector.shape_cast %parallel_loop3A_456 : vector<16xf32> to vector<1x16xf32>
          tpu.vector_store %arg11[%parallel_loop3A_496, %parallel_loop3A_497], %parallel_loop3A_500 {strides = array<i32>} : memref<40x128xf32, #tpu.memory_space<vmem>>, vector<1x16xf32>,
          %parallel_loop3A_501 = arith.index_cast %parallel_loop3A_144 : i32 to index
          %parallel_loop3A_502 = arith.constant 64 : index
          %parallel_loop3A_503 = tpu.vector_load %arg11[%parallel_loop3A_501, %parallel_loop3A_502] {strides = array<i32>} : memref<40x128xf32, #tpu.memory_space<vmem>>, vector<1x16xf32>,
          %parallel_loop3A_504 = vector.shape_cast %parallel_loop3A_503 : vector<1x16xf32> to vector<16xf32>
          %parallel_loop3A_505 = vector.shape_cast %parallel_loop3A_462 : vector<16xf32> to vector<1x16xf32>
          tpu.vector_store %arg11[%parallel_loop3A_501, %parallel_loop3A_502], %parallel_loop3A_505 {strides = array<i32>} : memref<40x128xf32, #tpu.memory_space<vmem>>, vector<1x16xf32>,
          %parallel_loop3A_506 = arith.index_cast %parallel_loop3A_144 : i32 to index
          %parallel_loop3A_507 = arith.constant 80 : index
          %parallel_loop3A_508 = tpu.vector_load %arg11[%parallel_loop3A_506, %parallel_loop3A_507] {strides = array<i32>} : memref<40x128xf32, #tpu.memory_space<vmem>>, vector<1x16xf32>,
          %parallel_loop3A_509 = vector.shape_cast %parallel_loop3A_508 : vector<1x16xf32> to vector<16xf32>
          %parallel_loop3A_510 = vector.shape_cast %parallel_loop3A_468 : vector<16xf32> to vector<1x16xf32>
          tpu.vector_store %arg11[%parallel_loop3A_506, %parallel_loop3A_507], %parallel_loop3A_510 {strides = array<i32>} : memref<40x128xf32, #tpu.memory_space<vmem>>, vector<1x16xf32>,
          %parallel_loop3A_511 = arith.index_cast %parallel_loop3A_144 : i32 to index
          %parallel_loop3A_512 = arith.constant 96 : index
          %parallel_loop3A_513 = tpu.vector_load %arg11[%parallel_loop3A_511, %parallel_loop3A_512] {strides = array<i32>} : memref<40x128xf32, #tpu.memory_space<vmem>>, vector<1x16xf32>,
          %parallel_loop3A_514 = vector.shape_cast %parallel_loop3A_513 : vector<1x16xf32> to vector<16xf32>
          %parallel_loop3A_515 = vector.shape_cast %parallel_loop3A_474 : vector<16xf32> to vector<1x16xf32>
          tpu.vector_store %arg11[%parallel_loop3A_511, %parallel_loop3A_512], %parallel_loop3A_515 {strides = array<i32>} : memref<40x128xf32, #tpu.memory_space<vmem>>, vector<1x16xf32>,
          %parallel_loop3A_516 = arith.index_cast %parallel_loop3A_144 : i32 to index
          %parallel_loop3A_517 = arith.constant 112 : index
          %parallel_loop3A_518 = tpu.vector_load %arg11[%parallel_loop3A_516, %parallel_loop3A_517] {strides = array<i32>} : memref<40x128xf32, #tpu.memory_space<vmem>>, vector<1x16xf32>,
          %parallel_loop3A_519 = vector.shape_cast %parallel_loop3A_518 : vector<1x16xf32> to vector<16xf32>
          %parallel_loop3A_520 = vector.shape_cast %parallel_loop3A_480 : vector<16xf32> to vector<1x16xf32>
          tpu.vector_store %arg11[%parallel_loop3A_516, %parallel_loop3A_517], %parallel_loop3A_520 {strides = array<i32>} : memref<40x128xf32, #tpu.memory_space<vmem>>, vector<1x16xf32>,
        } {sc.loop_unroll_factor = 1 : i64, sc.parallel_access}
        %add3A_129 = arith.addi %add3A_4, %add3A_88 : i32
        %mul3A_130 = arith.constant 40 : i32
        %mul3A_131 = arith.muli %add3A_129, %mul3A_130 : i32
        %min3A_132 = arith.constant 99960 : i32
        %min3A_133 = arith.minsi %mul3A_131, %min3A_132 : i32
        %dma_start3A_134 = arith.constant 0 : i32
        %dma_start3A_135 = tpu.memref_slice %arg4[%min3A_133, %dma_start3A_134] : memref<100000x128xf32, #tpu.memory_space<hbm>> -> memref<40x128xf32, #tpu.memory_space<hbm>>
        %dma_start3A_136 = arith.constant 0 : i32
        %dma_start3A_137 = tpu.memref_slice %arg4[%min3A_133, %dma_start3A_136] : memref<100000x128xf32, #tpu.memory_space<hbm>> -> memref<40x128xf32, #tpu.memory_space<hbm>>
        tpu.enqueue_dma source(%arg11 : memref<40x128xf32, #tpu.memory_space<vmem>>) target(%dma_start3A_137 : memref<40x128xf32, #tpu.memory_space<hbm>>) target_semaphore(%arg17 : memref<!tpu.dma_semaphore, #tpu.memory_space<semaphore_mem>>)
        %add3A_138 = arith.constant 3 : i32
        %add3A_139 = arith.addi %add3A_88, %add3A_138 : i32
        %lt3A_140 = arith.cmpi slt, %add3A_139, %add3A_8 : i32
        %convert_element_type3A_141 = arith.extui %lt3A_140 : i1 to i32
        %cond3A_142 = arith.constant 0 : i32
        %cond3A_143 = arith.cmpi ne, %convert_element_type3A_141, %cond3A_142 : i32
        scf.if %cond3A_143 {
          %add3A_144 = arith.constant 3 : i32
          %add3A_145 = arith.addi %add3A_88, %add3A_144 : i32
          %add3A_146 = arith.addi %add3A_4, %add3A_145 : i32
          %mul3A_147 = arith.constant 40 : i32
          %mul3A_148 = arith.muli %add3A_146, %mul3A_147 : i32
          %min3A_149 = arith.constant 99960 : i32
          %min3A_150 = arith.minsi %mul3A_148, %min3A_149 : i32
          %dma_start3A_151 = arith.constant 0 : i32
          %dma_start3A_152 = arith.constant 0 : i32
          %dma_start3A_153 = tpu.memref_slice %arg2[%dma_start3A_151, %min3A_150, %dma_start3A_152] : memref<3x100000x128xf32, #tpu.memory_space<hbm>> -> memref<3x40x128xf32, #tpu.memory_space<hbm>>
          %dma_start3A_154 = arith.constant 0 : i32
          %dma_start3A_155 = arith.constant 0 : i32
          %dma_start3A_156 = tpu.memref_slice %arg2[%dma_start3A_154, %min3A_150, %dma_start3A_155] : memref<3x100000x128xf32, #tpu.memory_space<hbm>> -> memref<3x40x128xf32, #tpu.memory_space<hbm>>
          tpu.enqueue_dma source(%dma_start3A_156 : memref<3x40x128xf32, #tpu.memory_space<hbm>>) target(%arg5 : memref<3x40x128xf32, #tpu.memory_space<vmem>>) target_semaphore(%arg14 : memref<!tpu.dma_semaphore, #tpu.memory_space<semaphore_mem>>)
          %dma_start3A_157 = arith.constant 0 : i32
          %dma_start3A_158 = arith.constant 0 : i32
          %dma_start3A_159 = tpu.memref_slice %arg3[%dma_start3A_157, %min3A_150, %dma_start3A_158] : memref<3x100000x128xf32, #tpu.memory_space<hbm>> -> memref<3x40x128xf32, #tpu.memory_space<hbm>>
          %dma_start3A_160 = arith.constant 0 : i32
          %dma_start3A_161 = arith.constant 0 : i32
          %dma_start3A_162 = tpu.memref_slice %arg3[%dma_start3A_160, %min3A_150, %dma_start3A_161] : memref<3x100000x128xf32, #tpu.memory_space<hbm>> -> memref<3x40x128xf32, #tpu.memory_space<hbm>>
          tpu.enqueue_dma source(%dma_start3A_162 : memref<3x40x128xf32, #tpu.memory_space<hbm>>) target(%arg8 : memref<3x40x128xf32, #tpu.memory_space<vmem>>) target_semaphore(%arg14 : memref<!tpu.dma_semaphore, #tpu.memory_space<semaphore_mem>>)
        } else {
        }
      } else {
      }
      %mul3A_91 = arith.constant 3 : i32
      %mul3A_92 = arith.muli %scan3A_84, %mul3A_91 : i32
      %add3A_93 = arith.constant 1 : i32
      %add3A_94 = arith.addi %mul3A_92, %add3A_93 : i32
      %lt3A_95 = arith.cmpi slt, %add3A_94, %add3A_8 : i32
      %convert_element_type3A_96 = arith.extui %lt3A_95 : i1 to i32
      %cond3A_97 = arith.constant 0 : i32
      %cond3A_98 = arith.cmpi ne, %convert_element_type3A_96, %cond3A_97 : i32
      scf.if %cond3A_98 {
        %dma_wait3A_107 = arith.constant 0 : i32
        %dma_wait3A_108 = arith.constant 0 : i32
        %dma_wait3A_109 = arith.constant 0 : i32
        %dma_wait3A_110 = tpu.memref_slice %arg2[%dma_wait3A_107, %dma_wait3A_108, %dma_wait3A_109] : memref<3x100000x128xf32, #tpu.memory_space<hbm>> -> memref<3x40x128xf32, #tpu.memory_space<hbm>>
        %dma_wait3A_111 = arith.constant 0 : i32
        %dma_wait3A_112 = arith.constant 0 : i32
        %dma_wait3A_113 = arith.constant 0 : i32
        %dma_wait3A_114 = tpu.memref_slice %arg2[%dma_wait3A_111, %dma_wait3A_112, %dma_wait3A_113] : memref<3x100000x128xf32, #tpu.memory_space<hbm>> -> memref<3x40x128xf32, #tpu.memory_space<hbm>>
        tpu.wait_dma2 semaphore(%arg15 : memref<!tpu.dma_semaphore, #tpu.memory_space<semaphore_mem>>) src(%dma_wait3A_114 : memref<3x40x128xf32, #tpu.memory_space<hbm>>) dst(%arg6 : memref<3x40x128xf32, #tpu.memory_space<vmem>>)
        %dma_wait3A_115 = arith.constant 0 : i32
        %dma_wait3A_116 = arith.constant 0 : i32
        %dma_wait3A_117 = arith.constant 0 : i32
        %dma_wait3A_118 = tpu.memref_slice %arg3[%dma_wait3A_115, %dma_wait3A_116, %dma_wait3A_117] : memref<3x100000x128xf32, #tpu.memory_space<hbm>> -> memref<3x40x128xf32, #tpu.memory_space<hbm>>
        %dma_wait3A_119 = arith.constant 0 : i32
        %dma_wait3A_120 = arith.constant 0 : i32
        %dma_wait3A_121 = arith.constant 0 : i32
        %dma_wait3A_122 = tpu.memref_slice %arg3[%dma_wait3A_119, %dma_wait3A_120, %dma_wait3A_121] : memref<3x100000x128xf32, #tpu.memory_space<hbm>> -> memref<3x40x128xf32, #tpu.memory_space<hbm>>
        tpu.wait_dma2 semaphore(%arg15 : memref<!tpu.dma_semaphore, #tpu.memory_space<semaphore_mem>>) src(%dma_wait3A_122 : memref<3x40x128xf32, #tpu.memory_space<hbm>>) dst(%arg9 : memref<3x40x128xf32, #tpu.memory_space<vmem>>)
        %ge3A = arith.constant 3 : i32
        %ge3A_123 = arith.cmpi sge, %add3A_94, %ge3A : i32
        %convert_element_type3A_124 = arith.extui %ge3A_123 : i1 to i32
        %cond3A_125 = arith.constant 0 : i32
        %cond3A_126 = arith.cmpi ne, %convert_element_type3A_124, %cond3A_125 : i32
        scf.if %cond3A_126 {
          %dma_wait3A_144 = arith.constant 0 : i32
          %dma_wait3A_145 = arith.constant 0 : i32
          %dma_wait3A_146 = tpu.memref_slice %arg4[%dma_wait3A_144, %dma_wait3A_145] : memref<100000x128xf32, #tpu.memory_space<hbm>> -> memref<40x128xf32, #tpu.memory_space<hbm>>
          %dma_wait3A_147 = arith.constant 0 : i32
          %dma_wait3A_148 = arith.constant 0 : i32
          %dma_wait3A_149 = tpu.memref_slice %arg4[%dma_wait3A_147, %dma_wait3A_148] : memref<100000x128xf32, #tpu.memory_space<hbm>> -> memref<40x128xf32, #tpu.memory_space<hbm>>
          tpu.wait_dma2 semaphore(%arg18 : memref<!tpu.dma_semaphore, #tpu.memory_space<semaphore_mem>>) src(%arg12 : memref<40x128xf32, #tpu.memory_space<vmem>>) dst(%dma_wait3A_149 : memref<40x128xf32, #tpu.memory_space<hbm>>)
        } else {
        }
        %parallel_loop3A = arith.constant 0 : i32
        %parallel_loop3A_127 = arith.constant 40 : i32
        %parallel_loop3A_128 = arith.constant 1 : i32
        scf.for %parallel_loop3A_144 = %parallel_loop3A to %parallel_loop3A_127 step %parallel_loop3A_128  : i32 {
          %parallel_loop3A_145 = arith.constant 0 : i32
          %parallel_loop3A_146 = arith.index_cast %parallel_loop3A_145 : i32 to index
          %parallel_loop3A_147 = arith.index_cast %parallel_loop3A_144 : i32 to index
          %parallel_loop3A_148 = arith.constant 0 : index
          %parallel_loop3A_149 = tpu.vector_load %arg6[%parallel_loop3A_146, %parallel_loop3A_147, %parallel_loop3A_148] {strides = array<i32>} : memref<3x40x128xf32, #tpu.memory_space<vmem>>, vector<1x1x16xf32>,
          %parallel_loop3A_150 = vector.shape_cast %parallel_loop3A_149 : vector<1x1x16xf32> to vector<16xf32>
          %parallel_loop3A_151 = arith.constant 1 : i32
          %parallel_loop3A_152 = arith.index_cast %parallel_loop3A_151 : i32 to index
          %parallel_loop3A_153 = arith.index_cast %parallel_loop3A_144 : i32 to index
          %parallel_loop3A_154 = arith.constant 0 : index
          %parallel_loop3A_155 = tpu.vector_load %arg6[%parallel_loop3A_152, %parallel_loop3A_153, %parallel_loop3A_154] {strides = array<i32>} : memref<3x40x128xf32, #tpu.memory_space<vmem>>, vector<1x1x16xf32>,
          %parallel_loop3A_156 = vector.shape_cast %parallel_loop3A_155 : vector<1x1x16xf32> to vector<16xf32>
          %parallel_loop3A_157 = arith.constant 2 : i32
          %parallel_loop3A_158 = arith.index_cast %parallel_loop3A_157 : i32 to index
          %parallel_loop3A_159 = arith.index_cast %parallel_loop3A_144 : i32 to index
          %parallel_loop3A_160 = arith.constant 0 : index
          %parallel_loop3A_161 = tpu.vector_load %arg6[%parallel_loop3A_158, %parallel_loop3A_159, %parallel_loop3A_160] {strides = array<i32>} : memref<3x40x128xf32, #tpu.memory_space<vmem>>, vector<1x1x16xf32>,
          %parallel_loop3A_162 = vector.shape_cast %parallel_loop3A_161 : vector<1x1x16xf32> to vector<16xf32>
          %parallel_loop3A_163 = arith.constant 0 : i32
          %parallel_loop3A_164 = arith.index_cast %parallel_loop3A_163 : i32 to index
          %parallel_loop3A_165 = arith.index_cast %parallel_loop3A_144 : i32 to index
          %parallel_loop3A_166 = arith.constant 0 : index
          %parallel_loop3A_167 = tpu.vector_load %arg9[%parallel_loop3A_164, %parallel_loop3A_165, %parallel_loop3A_166] {strides = array<i32>} : memref<3x40x128xf32, #tpu.memory_space<vmem>>, vector<1x1x16xf32>,
          %parallel_loop3A_168 = vector.shape_cast %parallel_loop3A_167 : vector<1x1x16xf32> to vector<16xf32>
          %parallel_loop3A_169 = arith.constant 1 : i32
          %parallel_loop3A_170 = arith.index_cast %parallel_loop3A_169 : i32 to index
          %parallel_loop3A_171 = arith.index_cast %parallel_loop3A_144 : i32 to index
          %parallel_loop3A_172 = arith.constant 0 : index
          %parallel_loop3A_173 = tpu.vector_load %arg9[%parallel_loop3A_170, %parallel_loop3A_171, %parallel_loop3A_172] {strides = array<i32>} : memref<3x40x128xf32, #tpu.memory_space<vmem>>, vector<1x1x16xf32>,
          %parallel_loop3A_174 = vector.shape_cast %parallel_loop3A_173 : vector<1x1x16xf32> to vector<16xf32>
          %parallel_loop3A_175 = arith.constant 2 : i32
          %parallel_loop3A_176 = arith.index_cast %parallel_loop3A_175 : i32 to index
          %parallel_loop3A_177 = arith.index_cast %parallel_loop3A_144 : i32 to index
          %parallel_loop3A_178 = arith.constant 0 : index
          %parallel_loop3A_179 = tpu.vector_load %arg9[%parallel_loop3A_176, %parallel_loop3A_177, %parallel_loop3A_178] {strides = array<i32>} : memref<3x40x128xf32, #tpu.memory_space<vmem>>, vector<1x1x16xf32>,
          %parallel_loop3A_180 = vector.shape_cast %parallel_loop3A_179 : vector<1x1x16xf32> to vector<16xf32>
          %parallel_loop3A_181 = arith.constant 0 : i32
          %parallel_loop3A_182 = arith.index_cast %parallel_loop3A_181 : i32 to index
          %parallel_loop3A_183 = arith.index_cast %parallel_loop3A_144 : i32 to index
          %parallel_loop3A_184 = arith.constant 16 : index
          %parallel_loop3A_185 = tpu.vector_load %arg6[%parallel_loop3A_182, %parallel_loop3A_183, %parallel_loop3A_184] {strides = array<i32>} : memref<3x40x128xf32, #tpu.memory_space<vmem>>, vector<1x1x16xf32>,
          %parallel_loop3A_186 = vector.shape_cast %parallel_loop3A_185 : vector<1x1x16xf32> to vector<16xf32>
          %parallel_loop3A_187 = arith.constant 1 : i32
          %parallel_loop3A_188 = arith.index_cast %parallel_loop3A_187 : i32 to index
          %parallel_loop3A_189 = arith.index_cast %parallel_loop3A_144 : i32 to index
          %parallel_loop3A_190 = arith.constant 16 : index
          %parallel_loop3A_191 = tpu.vector_load %arg6[%parallel_loop3A_188, %parallel_loop3A_189, %parallel_loop3A_190] {strides = array<i32>} : memref<3x40x128xf32, #tpu.memory_space<vmem>>, vector<1x1x16xf32>,
          %parallel_loop3A_192 = vector.shape_cast %parallel_loop3A_191 : vector<1x1x16xf32> to vector<16xf32>
          %parallel_loop3A_193 = arith.constant 2 : i32
          %parallel_loop3A_194 = arith.index_cast %parallel_loop3A_193 : i32 to index
          %parallel_loop3A_195 = arith.index_cast %parallel_loop3A_144 : i32 to index
          %parallel_loop3A_196 = arith.constant 16 : index
          %parallel_loop3A_197 = tpu.vector_load %arg6[%parallel_loop3A_194, %parallel_loop3A_195, %parallel_loop3A_196] {strides = array<i32>} : memref<3x40x128xf32, #tpu.memory_space<vmem>>, vector<1x1x16xf32>,
          %parallel_loop3A_198 = vector.shape_cast %parallel_loop3A_197 : vector<1x1x16xf32> to vector<16xf32>
          %parallel_loop3A_199 = arith.constant 0 : i32
          %parallel_loop3A_200 = arith.index_cast %parallel_loop3A_199 : i32 to index
          %parallel_loop3A_201 = arith.index_cast %parallel_loop3A_144 : i32 to index
          %parallel_loop3A_202 = arith.constant 16 : index
          %parallel_loop3A_203 = tpu.vector_load %arg9[%parallel_loop3A_200, %parallel_loop3A_201, %parallel_loop3A_202] {strides = array<i32>} : memref<3x40x128xf32, #tpu.memory_space<vmem>>, vector<1x1x16xf32>,
          %parallel_loop3A_204 = vector.shape_cast %parallel_loop3A_203 : vector<1x1x16xf32> to vector<16xf32>
          %parallel_loop3A_205 = arith.constant 1 : i32
          %parallel_loop3A_206 = arith.index_cast %parallel_loop3A_205 : i32 to index
          %parallel_loop3A_207 = arith.index_cast %parallel_loop3A_144 : i32 to index
          %parallel_loop3A_208 = arith.constant 16 : index
          %parallel_loop3A_209 = tpu.vector_load %arg9[%parallel_loop3A_206, %parallel_loop3A_207, %parallel_loop3A_208] {strides = array<i32>} : memref<3x40x128xf32, #tpu.memory_space<vmem>>, vector<1x1x16xf32>,
          %parallel_loop3A_210 = vector.shape_cast %parallel_loop3A_209 : vector<1x1x16xf32> to vector<16xf32>
          %parallel_loop3A_211 = arith.constant 2 : i32
          %parallel_loop3A_212 = arith.index_cast %parallel_loop3A_211 : i32 to index
          %parallel_loop3A_213 = arith.index_cast %parallel_loop3A_144 : i32 to index
          %parallel_loop3A_214 = arith.constant 16 : index
          %parallel_loop3A_215 = tpu.vector_load %arg9[%parallel_loop3A_212, %parallel_loop3A_213, %parallel_loop3A_214] {strides = array<i32>} : memref<3x40x128xf32, #tpu.memory_space<vmem>>, vector<1x1x16xf32>,
          %parallel_loop3A_216 = vector.shape_cast %parallel_loop3A_215 : vector<1x1x16xf32> to vector<16xf32>
          %parallel_loop3A_217 = arith.constant 0 : i32
          %parallel_loop3A_218 = arith.index_cast %parallel_loop3A_217 : i32 to index
          %parallel_loop3A_219 = arith.index_cast %parallel_loop3A_144 : i32 to index
          %parallel_loop3A_220 = arith.constant 32 : index
          %parallel_loop3A_221 = tpu.vector_load %arg6[%parallel_loop3A_218, %parallel_loop3A_219, %parallel_loop3A_220] {strides = array<i32>} : memref<3x40x128xf32, #tpu.memory_space<vmem>>, vector<1x1x16xf32>,
          %parallel_loop3A_222 = vector.shape_cast %parallel_loop3A_221 : vector<1x1x16xf32> to vector<16xf32>
          %parallel_loop3A_223 = arith.constant 1 : i32
          %parallel_loop3A_224 = arith.index_cast %parallel_loop3A_223 : i32 to index
          %parallel_loop3A_225 = arith.index_cast %parallel_loop3A_144 : i32 to index
          %parallel_loop3A_226 = arith.constant 32 : index
          %parallel_loop3A_227 = tpu.vector_load %arg6[%parallel_loop3A_224, %parallel_loop3A_225, %parallel_loop3A_226] {strides = array<i32>} : memref<3x40x128xf32, #tpu.memory_space<vmem>>, vector<1x1x16xf32>,
          %parallel_loop3A_228 = vector.shape_cast %parallel_loop3A_227 : vector<1x1x16xf32> to vector<16xf32>
          %parallel_loop3A_229 = arith.constant 2 : i32
          %parallel_loop3A_230 = arith.index_cast %parallel_loop3A_229 : i32 to index
          %parallel_loop3A_231 = arith.index_cast %parallel_loop3A_144 : i32 to index
          %parallel_loop3A_232 = arith.constant 32 : index
          %parallel_loop3A_233 = tpu.vector_load %arg6[%parallel_loop3A_230, %parallel_loop3A_231, %parallel_loop3A_232] {strides = array<i32>} : memref<3x40x128xf32, #tpu.memory_space<vmem>>, vector<1x1x16xf32>,
          %parallel_loop3A_234 = vector.shape_cast %parallel_loop3A_233 : vector<1x1x16xf32> to vector<16xf32>
          %parallel_loop3A_235 = arith.constant 0 : i32
          %parallel_loop3A_236 = arith.index_cast %parallel_loop3A_235 : i32 to index
          %parallel_loop3A_237 = arith.index_cast %parallel_loop3A_144 : i32 to index
          %parallel_loop3A_238 = arith.constant 32 : index
          %parallel_loop3A_239 = tpu.vector_load %arg9[%parallel_loop3A_236, %parallel_loop3A_237, %parallel_loop3A_238] {strides = array<i32>} : memref<3x40x128xf32, #tpu.memory_space<vmem>>, vector<1x1x16xf32>,
          %parallel_loop3A_240 = vector.shape_cast %parallel_loop3A_239 : vector<1x1x16xf32> to vector<16xf32>
          %parallel_loop3A_241 = arith.constant 1 : i32
          %parallel_loop3A_242 = arith.index_cast %parallel_loop3A_241 : i32 to index
          %parallel_loop3A_243 = arith.index_cast %parallel_loop3A_144 : i32 to index
          %parallel_loop3A_244 = arith.constant 32 : index
          %parallel_loop3A_245 = tpu.vector_load %arg9[%parallel_loop3A_242, %parallel_loop3A_243, %parallel_loop3A_244] {strides = array<i32>} : memref<3x40x128xf32, #tpu.memory_space<vmem>>, vector<1x1x16xf32>,
          %parallel_loop3A_246 = vector.shape_cast %parallel_loop3A_245 : vector<1x1x16xf32> to vector<16xf32>
          %parallel_loop3A_247 = arith.constant 2 : i32
          %parallel_loop3A_248 = arith.index_cast %parallel_loop3A_247 : i32 to index
          %parallel_loop3A_249 = arith.index_cast %parallel_loop3A_144 : i32 to index
          %parallel_loop3A_250 = arith.constant 32 : index
          %parallel_loop3A_251 = tpu.vector_load %arg9[%parallel_loop3A_248, %parallel_loop3A_249, %parallel_loop3A_250] {strides = array<i32>} : memref<3x40x128xf32, #tpu.memory_space<vmem>>, vector<1x1x16xf32>,
          %parallel_loop3A_252 = vector.shape_cast %parallel_loop3A_251 : vector<1x1x16xf32> to vector<16xf32>
          %parallel_loop3A_253 = arith.constant 0 : i32
          %parallel_loop3A_254 = arith.index_cast %parallel_loop3A_253 : i32 to index
          %parallel_loop3A_255 = arith.index_cast %parallel_loop3A_144 : i32 to index
          %parallel_loop3A_256 = arith.constant 48 : index
          %parallel_loop3A_257 = tpu.vector_load %arg6[%parallel_loop3A_254, %parallel_loop3A_255, %parallel_loop3A_256] {strides = array<i32>} : memref<3x40x128xf32, #tpu.memory_space<vmem>>, vector<1x1x16xf32>,
          %parallel_loop3A_258 = vector.shape_cast %parallel_loop3A_257 : vector<1x1x16xf32> to vector<16xf32>
          %parallel_loop3A_259 = arith.constant 1 : i32
          %parallel_loop3A_260 = arith.index_cast %parallel_loop3A_259 : i32 to index
          %parallel_loop3A_261 = arith.index_cast %parallel_loop3A_144 : i32 to index
          %parallel_loop3A_262 = arith.constant 48 : index
          %parallel_loop3A_263 = tpu.vector_load %arg6[%parallel_loop3A_260, %parallel_loop3A_261, %parallel_loop3A_262] {strides = array<i32>} : memref<3x40x128xf32, #tpu.memory_space<vmem>>, vector<1x1x16xf32>,
          %parallel_loop3A_264 = vector.shape_cast %parallel_loop3A_263 : vector<1x1x16xf32> to vector<16xf32>
          %parallel_loop3A_265 = arith.constant 2 : i32
          %parallel_loop3A_266 = arith.index_cast %parallel_loop3A_265 : i32 to index
          %parallel_loop3A_267 = arith.index_cast %parallel_loop3A_144 : i32 to index
          %parallel_loop3A_268 = arith.constant 48 : index
          %parallel_loop3A_269 = tpu.vector_load %arg6[%parallel_loop3A_266, %parallel_loop3A_267, %parallel_loop3A_268] {strides = array<i32>} : memref<3x40x128xf32, #tpu.memory_space<vmem>>, vector<1x1x16xf32>,
          %parallel_loop3A_270 = vector.shape_cast %parallel_loop3A_269 : vector<1x1x16xf32> to vector<16xf32>
          %parallel_loop3A_271 = arith.constant 0 : i32
          %parallel_loop3A_272 = arith.index_cast %parallel_loop3A_271 : i32 to index
          %parallel_loop3A_273 = arith.index_cast %parallel_loop3A_144 : i32 to index
          %parallel_loop3A_274 = arith.constant 48 : index
          %parallel_loop3A_275 = tpu.vector_load %arg9[%parallel_loop3A_272, %parallel_loop3A_273, %parallel_loop3A_274] {strides = array<i32>} : memref<3x40x128xf32, #tpu.memory_space<vmem>>, vector<1x1x16xf32>,
          %parallel_loop3A_276 = vector.shape_cast %parallel_loop3A_275 : vector<1x1x16xf32> to vector<16xf32>
          %parallel_loop3A_277 = arith.constant 1 : i32
          %parallel_loop3A_278 = arith.index_cast %parallel_loop3A_277 : i32 to index
          %parallel_loop3A_279 = arith.index_cast %parallel_loop3A_144 : i32 to index
          %parallel_loop3A_280 = arith.constant 48 : index
          %parallel_loop3A_281 = tpu.vector_load %arg9[%parallel_loop3A_278, %parallel_loop3A_279, %parallel_loop3A_280] {strides = array<i32>} : memref<3x40x128xf32, #tpu.memory_space<vmem>>, vector<1x1x16xf32>,
          %parallel_loop3A_282 = vector.shape_cast %parallel_loop3A_281 : vector<1x1x16xf32> to vector<16xf32>
          %parallel_loop3A_283 = arith.constant 2 : i32
          %parallel_loop3A_284 = arith.index_cast %parallel_loop3A_283 : i32 to index
          %parallel_loop3A_285 = arith.index_cast %parallel_loop3A_144 : i32 to index
          %parallel_loop3A_286 = arith.constant 48 : index
          %parallel_loop3A_287 = tpu.vector_load %arg9[%parallel_loop3A_284, %parallel_loop3A_285, %parallel_loop3A_286] {strides = array<i32>} : memref<3x40x128xf32, #tpu.memory_space<vmem>>, vector<1x1x16xf32>,
          %parallel_loop3A_288 = vector.shape_cast %parallel_loop3A_287 : vector<1x1x16xf32> to vector<16xf32>
          %parallel_loop3A_289 = arith.constant 0 : i32
          %parallel_loop3A_290 = arith.index_cast %parallel_loop3A_289 : i32 to index
          %parallel_loop3A_291 = arith.index_cast %parallel_loop3A_144 : i32 to index
          %parallel_loop3A_292 = arith.constant 64 : index
          %parallel_loop3A_293 = tpu.vector_load %arg6[%parallel_loop3A_290, %parallel_loop3A_291, %parallel_loop3A_292] {strides = array<i32>} : memref<3x40x128xf32, #tpu.memory_space<vmem>>, vector<1x1x16xf32>,
          %parallel_loop3A_294 = vector.shape_cast %parallel_loop3A_293 : vector<1x1x16xf32> to vector<16xf32>
          %parallel_loop3A_295 = arith.constant 1 : i32
          %parallel_loop3A_296 = arith.index_cast %parallel_loop3A_295 : i32 to index
          %parallel_loop3A_297 = arith.index_cast %parallel_loop3A_144 : i32 to index
          %parallel_loop3A_298 = arith.constant 64 : index
          %parallel_loop3A_299 = tpu.vector_load %arg6[%parallel_loop3A_296, %parallel_loop3A_297, %parallel_loop3A_298] {strides = array<i32>} : memref<3x40x128xf32, #tpu.memory_space<vmem>>, vector<1x1x16xf32>,
          %parallel_loop3A_300 = vector.shape_cast %parallel_loop3A_299 : vector<1x1x16xf32> to vector<16xf32>
          %parallel_loop3A_301 = arith.constant 2 : i32
          %parallel_loop3A_302 = arith.index_cast %parallel_loop3A_301 : i32 to index
          %parallel_loop3A_303 = arith.index_cast %parallel_loop3A_144 : i32 to index
          %parallel_loop3A_304 = arith.constant 64 : index
          %parallel_loop3A_305 = tpu.vector_load %arg6[%parallel_loop3A_302, %parallel_loop3A_303, %parallel_loop3A_304] {strides = array<i32>} : memref<3x40x128xf32, #tpu.memory_space<vmem>>, vector<1x1x16xf32>,
          %parallel_loop3A_306 = vector.shape_cast %parallel_loop3A_305 : vector<1x1x16xf32> to vector<16xf32>
          %parallel_loop3A_307 = arith.constant 0 : i32
          %parallel_loop3A_308 = arith.index_cast %parallel_loop3A_307 : i32 to index
          %parallel_loop3A_309 = arith.index_cast %parallel_loop3A_144 : i32 to index
          %parallel_loop3A_310 = arith.constant 64 : index
          %parallel_loop3A_311 = tpu.vector_load %arg9[%parallel_loop3A_308, %parallel_loop3A_309, %parallel_loop3A_310] {strides = array<i32>} : memref<3x40x128xf32, #tpu.memory_space<vmem>>, vector<1x1x16xf32>,
          %parallel_loop3A_312 = vector.shape_cast %parallel_loop3A_311 : vector<1x1x16xf32> to vector<16xf32>
          %parallel_loop3A_313 = arith.constant 1 : i32
          %parallel_loop3A_314 = arith.index_cast %parallel_loop3A_313 : i32 to index
          %parallel_loop3A_315 = arith.index_cast %parallel_loop3A_144 : i32 to index
          %parallel_loop3A_316 = arith.constant 64 : index
          %parallel_loop3A_317 = tpu.vector_load %arg9[%parallel_loop3A_314, %parallel_loop3A_315, %parallel_loop3A_316] {strides = array<i32>} : memref<3x40x128xf32, #tpu.memory_space<vmem>>, vector<1x1x16xf32>,
          %parallel_loop3A_318 = vector.shape_cast %parallel_loop3A_317 : vector<1x1x16xf32> to vector<16xf32>
          %parallel_loop3A_319 = arith.constant 2 : i32
          %parallel_loop3A_320 = arith.index_cast %parallel_loop3A_319 : i32 to index
          %parallel_loop3A_321 = arith.index_cast %parallel_loop3A_144 : i32 to index
          %parallel_loop3A_322 = arith.constant 64 : index
          %parallel_loop3A_323 = tpu.vector_load %arg9[%parallel_loop3A_320, %parallel_loop3A_321, %parallel_loop3A_322] {strides = array<i32>} : memref<3x40x128xf32, #tpu.memory_space<vmem>>, vector<1x1x16xf32>,
          %parallel_loop3A_324 = vector.shape_cast %parallel_loop3A_323 : vector<1x1x16xf32> to vector<16xf32>
          %parallel_loop3A_325 = arith.constant 0 : i32
          %parallel_loop3A_326 = arith.index_cast %parallel_loop3A_325 : i32 to index
          %parallel_loop3A_327 = arith.index_cast %parallel_loop3A_144 : i32 to index
          %parallel_loop3A_328 = arith.constant 80 : index
          %parallel_loop3A_329 = tpu.vector_load %arg6[%parallel_loop3A_326, %parallel_loop3A_327, %parallel_loop3A_328] {strides = array<i32>} : memref<3x40x128xf32, #tpu.memory_space<vmem>>, vector<1x1x16xf32>,
          %parallel_loop3A_330 = vector.shape_cast %parallel_loop3A_329 : vector<1x1x16xf32> to vector<16xf32>
          %parallel_loop3A_331 = arith.constant 1 : i32
          %parallel_loop3A_332 = arith.index_cast %parallel_loop3A_331 : i32 to index
          %parallel_loop3A_333 = arith.index_cast %parallel_loop3A_144 : i32 to index
          %parallel_loop3A_334 = arith.constant 80 : index
          %parallel_loop3A_335 = tpu.vector_load %arg6[%parallel_loop3A_332, %parallel_loop3A_333, %parallel_loop3A_334] {strides = array<i32>} : memref<3x40x128xf32, #tpu.memory_space<vmem>>, vector<1x1x16xf32>,
          %parallel_loop3A_336 = vector.shape_cast %parallel_loop3A_335 : vector<1x1x16xf32> to vector<16xf32>
          %parallel_loop3A_337 = arith.constant 2 : i32
          %parallel_loop3A_338 = arith.index_cast %parallel_loop3A_337 : i32 to index
          %parallel_loop3A_339 = arith.index_cast %parallel_loop3A_144 : i32 to index
          %parallel_loop3A_340 = arith.constant 80 : index
          %parallel_loop3A_341 = tpu.vector_load %arg6[%parallel_loop3A_338, %parallel_loop3A_339, %parallel_loop3A_340] {strides = array<i32>} : memref<3x40x128xf32, #tpu.memory_space<vmem>>, vector<1x1x16xf32>,
          %parallel_loop3A_342 = vector.shape_cast %parallel_loop3A_341 : vector<1x1x16xf32> to vector<16xf32>
          %parallel_loop3A_343 = arith.constant 0 : i32
          %parallel_loop3A_344 = arith.index_cast %parallel_loop3A_343 : i32 to index
          %parallel_loop3A_345 = arith.index_cast %parallel_loop3A_144 : i32 to index
          %parallel_loop3A_346 = arith.constant 80 : index
          %parallel_loop3A_347 = tpu.vector_load %arg9[%parallel_loop3A_344, %parallel_loop3A_345, %parallel_loop3A_346] {strides = array<i32>} : memref<3x40x128xf32, #tpu.memory_space<vmem>>, vector<1x1x16xf32>,
          %parallel_loop3A_348 = vector.shape_cast %parallel_loop3A_347 : vector<1x1x16xf32> to vector<16xf32>
          %parallel_loop3A_349 = arith.constant 1 : i32
          %parallel_loop3A_350 = arith.index_cast %parallel_loop3A_349 : i32 to index
          %parallel_loop3A_351 = arith.index_cast %parallel_loop3A_144 : i32 to index
          %parallel_loop3A_352 = arith.constant 80 : index
          %parallel_loop3A_353 = tpu.vector_load %arg9[%parallel_loop3A_350, %parallel_loop3A_351, %parallel_loop3A_352] {strides = array<i32>} : memref<3x40x128xf32, #tpu.memory_space<vmem>>, vector<1x1x16xf32>,
          %parallel_loop3A_354 = vector.shape_cast %parallel_loop3A_353 : vector<1x1x16xf32> to vector<16xf32>
          %parallel_loop3A_355 = arith.constant 2 : i32
          %parallel_loop3A_356 = arith.index_cast %parallel_loop3A_355 : i32 to index
          %parallel_loop3A_357 = arith.index_cast %parallel_loop3A_144 : i32 to index
          %parallel_loop3A_358 = arith.constant 80 : index
          %parallel_loop3A_359 = tpu.vector_load %arg9[%parallel_loop3A_356, %parallel_loop3A_357, %parallel_loop3A_358] {strides = array<i32>} : memref<3x40x128xf32, #tpu.memory_space<vmem>>, vector<1x1x16xf32>,
          %parallel_loop3A_360 = vector.shape_cast %parallel_loop3A_359 : vector<1x1x16xf32> to vector<16xf32>
          %parallel_loop3A_361 = arith.constant 0 : i32
          %parallel_loop3A_362 = arith.index_cast %parallel_loop3A_361 : i32 to index
          %parallel_loop3A_363 = arith.index_cast %parallel_loop3A_144 : i32 to index
          %parallel_loop3A_364 = arith.constant 96 : index
          %parallel_loop3A_365 = tpu.vector_load %arg6[%parallel_loop3A_362, %parallel_loop3A_363, %parallel_loop3A_364] {strides = array<i32>} : memref<3x40x128xf32, #tpu.memory_space<vmem>>, vector<1x1x16xf32>,
          %parallel_loop3A_366 = vector.shape_cast %parallel_loop3A_365 : vector<1x1x16xf32> to vector<16xf32>
          %parallel_loop3A_367 = arith.constant 1 : i32
          %parallel_loop3A_368 = arith.index_cast %parallel_loop3A_367 : i32 to index
          %parallel_loop3A_369 = arith.index_cast %parallel_loop3A_144 : i32 to index
          %parallel_loop3A_370 = arith.constant 96 : index
          %parallel_loop3A_371 = tpu.vector_load %arg6[%parallel_loop3A_368, %parallel_loop3A_369, %parallel_loop3A_370] {strides = array<i32>} : memref<3x40x128xf32, #tpu.memory_space<vmem>>, vector<1x1x16xf32>,
          %parallel_loop3A_372 = vector.shape_cast %parallel_loop3A_371 : vector<1x1x16xf32> to vector<16xf32>
          %parallel_loop3A_373 = arith.constant 2 : i32
          %parallel_loop3A_374 = arith.index_cast %parallel_loop3A_373 : i32 to index
          %parallel_loop3A_375 = arith.index_cast %parallel_loop3A_144 : i32 to index
          %parallel_loop3A_376 = arith.constant 96 : index
          %parallel_loop3A_377 = tpu.vector_load %arg6[%parallel_loop3A_374, %parallel_loop3A_375, %parallel_loop3A_376] {strides = array<i32>} : memref<3x40x128xf32, #tpu.memory_space<vmem>>, vector<1x1x16xf32>,
          %parallel_loop3A_378 = vector.shape_cast %parallel_loop3A_377 : vector<1x1x16xf32> to vector<16xf32>
          %parallel_loop3A_379 = arith.constant 0 : i32
          %parallel_loop3A_380 = arith.index_cast %parallel_loop3A_379 : i32 to index
          %parallel_loop3A_381 = arith.index_cast %parallel_loop3A_144 : i32 to index
          %parallel_loop3A_382 = arith.constant 96 : index
          %parallel_loop3A_383 = tpu.vector_load %arg9[%parallel_loop3A_380, %parallel_loop3A_381, %parallel_loop3A_382] {strides = array<i32>} : memref<3x40x128xf32, #tpu.memory_space<vmem>>, vector<1x1x16xf32>,
          %parallel_loop3A_384 = vector.shape_cast %parallel_loop3A_383 : vector<1x1x16xf32> to vector<16xf32>
          %parallel_loop3A_385 = arith.constant 1 : i32
          %parallel_loop3A_386 = arith.index_cast %parallel_loop3A_385 : i32 to index
          %parallel_loop3A_387 = arith.index_cast %parallel_loop3A_144 : i32 to index
          %parallel_loop3A_388 = arith.constant 96 : index
          %parallel_loop3A_389 = tpu.vector_load %arg9[%parallel_loop3A_386, %parallel_loop3A_387, %parallel_loop3A_388] {strides = array<i32>} : memref<3x40x128xf32, #tpu.memory_space<vmem>>, vector<1x1x16xf32>,
          %parallel_loop3A_390 = vector.shape_cast %parallel_loop3A_389 : vector<1x1x16xf32> to vector<16xf32>
          %parallel_loop3A_391 = arith.constant 2 : i32
          %parallel_loop3A_392 = arith.index_cast %parallel_loop3A_391 : i32 to index
          %parallel_loop3A_393 = arith.index_cast %parallel_loop3A_144 : i32 to index
          %parallel_loop3A_394 = arith.constant 96 : index
          %parallel_loop3A_395 = tpu.vector_load %arg9[%parallel_loop3A_392, %parallel_loop3A_393, %parallel_loop3A_394] {strides = array<i32>} : memref<3x40x128xf32, #tpu.memory_space<vmem>>, vector<1x1x16xf32>,
          %parallel_loop3A_396 = vector.shape_cast %parallel_loop3A_395 : vector<1x1x16xf32> to vector<16xf32>
          %parallel_loop3A_397 = arith.constant 0 : i32
          %parallel_loop3A_398 = arith.index_cast %parallel_loop3A_397 : i32 to index
          %parallel_loop3A_399 = arith.index_cast %parallel_loop3A_144 : i32 to index
          %parallel_loop3A_400 = arith.constant 112 : index
          %parallel_loop3A_401 = tpu.vector_load %arg6[%parallel_loop3A_398, %parallel_loop3A_399, %parallel_loop3A_400] {strides = array<i32>} : memref<3x40x128xf32, #tpu.memory_space<vmem>>, vector<1x1x16xf32>,
          %parallel_loop3A_402 = vector.shape_cast %parallel_loop3A_401 : vector<1x1x16xf32> to vector<16xf32>
          %parallel_loop3A_403 = arith.constant 1 : i32
          %parallel_loop3A_404 = arith.index_cast %parallel_loop3A_403 : i32 to index
          %parallel_loop3A_405 = arith.index_cast %parallel_loop3A_144 : i32 to index
          %parallel_loop3A_406 = arith.constant 112 : index
          %parallel_loop3A_407 = tpu.vector_load %arg6[%parallel_loop3A_404, %parallel_loop3A_405, %parallel_loop3A_406] {strides = array<i32>} : memref<3x40x128xf32, #tpu.memory_space<vmem>>, vector<1x1x16xf32>,
          %parallel_loop3A_408 = vector.shape_cast %parallel_loop3A_407 : vector<1x1x16xf32> to vector<16xf32>
          %parallel_loop3A_409 = arith.constant 2 : i32
          %parallel_loop3A_410 = arith.index_cast %parallel_loop3A_409 : i32 to index
          %parallel_loop3A_411 = arith.index_cast %parallel_loop3A_144 : i32 to index
          %parallel_loop3A_412 = arith.constant 112 : index
          %parallel_loop3A_413 = tpu.vector_load %arg6[%parallel_loop3A_410, %parallel_loop3A_411, %parallel_loop3A_412] {strides = array<i32>} : memref<3x40x128xf32, #tpu.memory_space<vmem>>, vector<1x1x16xf32>,
          %parallel_loop3A_414 = vector.shape_cast %parallel_loop3A_413 : vector<1x1x16xf32> to vector<16xf32>
          %parallel_loop3A_415 = arith.constant 0 : i32
          %parallel_loop3A_416 = arith.index_cast %parallel_loop3A_415 : i32 to index
          %parallel_loop3A_417 = arith.index_cast %parallel_loop3A_144 : i32 to index
          %parallel_loop3A_418 = arith.constant 112 : index
          %parallel_loop3A_419 = tpu.vector_load %arg9[%parallel_loop3A_416, %parallel_loop3A_417, %parallel_loop3A_418] {strides = array<i32>} : memref<3x40x128xf32, #tpu.memory_space<vmem>>, vector<1x1x16xf32>,
          %parallel_loop3A_420 = vector.shape_cast %parallel_loop3A_419 : vector<1x1x16xf32> to vector<16xf32>
          %parallel_loop3A_421 = arith.constant 1 : i32
          %parallel_loop3A_422 = arith.index_cast %parallel_loop3A_421 : i32 to index
          %parallel_loop3A_423 = arith.index_cast %parallel_loop3A_144 : i32 to index
          %parallel_loop3A_424 = arith.constant 112 : index
          %parallel_loop3A_425 = tpu.vector_load %arg9[%parallel_loop3A_422, %parallel_loop3A_423, %parallel_loop3A_424] {strides = array<i32>} : memref<3x40x128xf32, #tpu.memory_space<vmem>>, vector<1x1x16xf32>,
          %parallel_loop3A_426 = vector.shape_cast %parallel_loop3A_425 : vector<1x1x16xf32> to vector<16xf32>
          %parallel_loop3A_427 = arith.constant 2 : i32
          %parallel_loop3A_428 = arith.index_cast %parallel_loop3A_427 : i32 to index
          %parallel_loop3A_429 = arith.index_cast %parallel_loop3A_144 : i32 to index
          %parallel_loop3A_430 = arith.constant 112 : index
          %parallel_loop3A_431 = tpu.vector_load %arg9[%parallel_loop3A_428, %parallel_loop3A_429, %parallel_loop3A_430] {strides = array<i32>} : memref<3x40x128xf32, #tpu.memory_space<vmem>>, vector<1x1x16xf32>,
          %parallel_loop3A_432 = vector.shape_cast %parallel_loop3A_431 : vector<1x1x16xf32> to vector<16xf32>
          %parallel_loop3A_433 = arith.constant 0.333333343 : f32
          %parallel_loop3A_434 = vector.broadcast %parallel_loop3A_433 : f32 to vector<16xf32>
          %parallel_loop3A_435 = arith.mulf %parallel_loop3A_150, %parallel_loop3A_434 : vector<16xf32>
          %parallel_loop3A_436 = arith.constant 0.000000e+00 : f32
          %parallel_loop3A_437 = vector.broadcast %parallel_loop3A_436 : f32 to vector<16xf32>
          %parallel_loop3A_438 = arith.maximumf %parallel_loop3A_435, %parallel_loop3A_437 : vector<16xf32>
          %parallel_loop3A_439 = arith.constant 0.333333343 : f32
          %parallel_loop3A_440 = vector.broadcast %parallel_loop3A_439 : f32 to vector<16xf32>
          %parallel_loop3A_441 = arith.mulf %parallel_loop3A_186, %parallel_loop3A_440 : vector<16xf32>
          %parallel_loop3A_442 = arith.constant 0.000000e+00 : f32
          %parallel_loop3A_443 = vector.broadcast %parallel_loop3A_442 : f32 to vector<16xf32>
          %parallel_loop3A_444 = arith.maximumf %parallel_loop3A_441, %parallel_loop3A_443 : vector<16xf32>
          %parallel_loop3A_445 = arith.constant 0.333333343 : f32
          %parallel_loop3A_446 = vector.broadcast %parallel_loop3A_445 : f32 to vector<16xf32>
          %parallel_loop3A_447 = arith.mulf %parallel_loop3A_222, %parallel_loop3A_446 : vector<16xf32>
          %parallel_loop3A_448 = arith.constant 0.000000e+00 : f32
          %parallel_loop3A_449 = vector.broadcast %parallel_loop3A_448 : f32 to vector<16xf32>
          %parallel_loop3A_450 = arith.maximumf %parallel_loop3A_447, %parallel_loop3A_449 : vector<16xf32>
          %parallel_loop3A_451 = arith.constant 0.333333343 : f32
          %parallel_loop3A_452 = vector.broadcast %parallel_loop3A_451 : f32 to vector<16xf32>
          %parallel_loop3A_453 = arith.mulf %parallel_loop3A_258, %parallel_loop3A_452 : vector<16xf32>
          %parallel_loop3A_454 = arith.constant 0.000000e+00 : f32
          %parallel_loop3A_455 = vector.broadcast %parallel_loop3A_454 : f32 to vector<16xf32>
          %parallel_loop3A_456 = arith.maximumf %parallel_loop3A_453, %parallel_loop3A_455 : vector<16xf32>
          %parallel_loop3A_457 = arith.constant 0.333333343 : f32
          %parallel_loop3A_458 = vector.broadcast %parallel_loop3A_457 : f32 to vector<16xf32>
          %parallel_loop3A_459 = arith.mulf %parallel_loop3A_294, %parallel_loop3A_458 : vector<16xf32>
          %parallel_loop3A_460 = arith.constant 0.000000e+00 : f32
          %parallel_loop3A_461 = vector.broadcast %parallel_loop3A_460 : f32 to vector<16xf32>
          %parallel_loop3A_462 = arith.maximumf %parallel_loop3A_459, %parallel_loop3A_461 : vector<16xf32>
          %parallel_loop3A_463 = arith.constant 0.333333343 : f32
          %parallel_loop3A_464 = vector.broadcast %parallel_loop3A_463 : f32 to vector<16xf32>
          %parallel_loop3A_465 = arith.mulf %parallel_loop3A_330, %parallel_loop3A_464 : vector<16xf32>
          %parallel_loop3A_466 = arith.constant 0.000000e+00 : f32
          %parallel_loop3A_467 = vector.broadcast %parallel_loop3A_466 : f32 to vector<16xf32>
          %parallel_loop3A_468 = arith.maximumf %parallel_loop3A_465, %parallel_loop3A_467 : vector<16xf32>
          %parallel_loop3A_469 = arith.constant 0.333333343 : f32
          %parallel_loop3A_470 = vector.broadcast %parallel_loop3A_469 : f32 to vector<16xf32>
          %parallel_loop3A_471 = arith.mulf %parallel_loop3A_366, %parallel_loop3A_470 : vector<16xf32>
          %parallel_loop3A_472 = arith.constant 0.000000e+00 : f32
          %parallel_loop3A_473 = vector.broadcast %parallel_loop3A_472 : f32 to vector<16xf32>
          %parallel_loop3A_474 = arith.maximumf %parallel_loop3A_471, %parallel_loop3A_473 : vector<16xf32>
          %parallel_loop3A_475 = arith.constant 0.333333343 : f32
          %parallel_loop3A_476 = vector.broadcast %parallel_loop3A_475 : f32 to vector<16xf32>
          %parallel_loop3A_477 = arith.mulf %parallel_loop3A_402, %parallel_loop3A_476 : vector<16xf32>
          %parallel_loop3A_478 = arith.constant 0.000000e+00 : f32
          %parallel_loop3A_479 = vector.broadcast %parallel_loop3A_478 : f32 to vector<16xf32>
          %parallel_loop3A_480 = arith.maximumf %parallel_loop3A_477, %parallel_loop3A_479 : vector<16xf32>
          %parallel_loop3A_481 = arith.index_cast %parallel_loop3A_144 : i32 to index
          %parallel_loop3A_482 = arith.constant 0 : index
          %parallel_loop3A_483 = tpu.vector_load %arg12[%parallel_loop3A_481, %parallel_loop3A_482] {strides = array<i32>} : memref<40x128xf32, #tpu.memory_space<vmem>>, vector<1x16xf32>,
          %parallel_loop3A_484 = vector.shape_cast %parallel_loop3A_483 : vector<1x16xf32> to vector<16xf32>
          %parallel_loop3A_485 = vector.shape_cast %parallel_loop3A_438 : vector<16xf32> to vector<1x16xf32>
          tpu.vector_store %arg12[%parallel_loop3A_481, %parallel_loop3A_482], %parallel_loop3A_485 {strides = array<i32>} : memref<40x128xf32, #tpu.memory_space<vmem>>, vector<1x16xf32>,
          %parallel_loop3A_486 = arith.index_cast %parallel_loop3A_144 : i32 to index
          %parallel_loop3A_487 = arith.constant 16 : index
          %parallel_loop3A_488 = tpu.vector_load %arg12[%parallel_loop3A_486, %parallel_loop3A_487] {strides = array<i32>} : memref<40x128xf32, #tpu.memory_space<vmem>>, vector<1x16xf32>,
          %parallel_loop3A_489 = vector.shape_cast %parallel_loop3A_488 : vector<1x16xf32> to vector<16xf32>
          %parallel_loop3A_490 = vector.shape_cast %parallel_loop3A_444 : vector<16xf32> to vector<1x16xf32>
          tpu.vector_store %arg12[%parallel_loop3A_486, %parallel_loop3A_487], %parallel_loop3A_490 {strides = array<i32>} : memref<40x128xf32, #tpu.memory_space<vmem>>, vector<1x16xf32>,
          %parallel_loop3A_491 = arith.index_cast %parallel_loop3A_144 : i32 to index
          %parallel_loop3A_492 = arith.constant 32 : index
          %parallel_loop3A_493 = tpu.vector_load %arg12[%parallel_loop3A_491, %parallel_loop3A_492] {strides = array<i32>} : memref<40x128xf32, #tpu.memory_space<vmem>>, vector<1x16xf32>,
          %parallel_loop3A_494 = vector.shape_cast %parallel_loop3A_493 : vector<1x16xf32> to vector<16xf32>
          %parallel_loop3A_495 = vector.shape_cast %parallel_loop3A_450 : vector<16xf32> to vector<1x16xf32>
          tpu.vector_store %arg12[%parallel_loop3A_491, %parallel_loop3A_492], %parallel_loop3A_495 {strides = array<i32>} : memref<40x128xf32, #tpu.memory_space<vmem>>, vector<1x16xf32>,
          %parallel_loop3A_496 = arith.index_cast %parallel_loop3A_144 : i32 to index
          %parallel_loop3A_497 = arith.constant 48 : index
          %parallel_loop3A_498 = tpu.vector_load %arg12[%parallel_loop3A_496, %parallel_loop3A_497] {strides = array<i32>} : memref<40x128xf32, #tpu.memory_space<vmem>>, vector<1x16xf32>,
          %parallel_loop3A_499 = vector.shape_cast %parallel_loop3A_498 : vector<1x16xf32> to vector<16xf32>
          %parallel_loop3A_500 = vector.shape_cast %parallel_loop3A_456 : vector<16xf32> to vector<1x16xf32>
          tpu.vector_store %arg12[%parallel_loop3A_496, %parallel_loop3A_497], %parallel_loop3A_500 {strides = array<i32>} : memref<40x128xf32, #tpu.memory_space<vmem>>, vector<1x16xf32>,
          %parallel_loop3A_501 = arith.index_cast %parallel_loop3A_144 : i32 to index
          %parallel_loop3A_502 = arith.constant 64 : index
          %parallel_loop3A_503 = tpu.vector_load %arg12[%parallel_loop3A_501, %parallel_loop3A_502] {strides = array<i32>} : memref<40x128xf32, #tpu.memory_space<vmem>>, vector<1x16xf32>,
          %parallel_loop3A_504 = vector.shape_cast %parallel_loop3A_503 : vector<1x16xf32> to vector<16xf32>
          %parallel_loop3A_505 = vector.shape_cast %parallel_loop3A_462 : vector<16xf32> to vector<1x16xf32>
          tpu.vector_store %arg12[%parallel_loop3A_501, %parallel_loop3A_502], %parallel_loop3A_505 {strides = array<i32>} : memref<40x128xf32, #tpu.memory_space<vmem>>, vector<1x16xf32>,
          %parallel_loop3A_506 = arith.index_cast %parallel_loop3A_144 : i32 to index
          %parallel_loop3A_507 = arith.constant 80 : index
          %parallel_loop3A_508 = tpu.vector_load %arg12[%parallel_loop3A_506, %parallel_loop3A_507] {strides = array<i32>} : memref<40x128xf32, #tpu.memory_space<vmem>>, vector<1x16xf32>,
          %parallel_loop3A_509 = vector.shape_cast %parallel_loop3A_508 : vector<1x16xf32> to vector<16xf32>
          %parallel_loop3A_510 = vector.shape_cast %parallel_loop3A_468 : vector<16xf32> to vector<1x16xf32>
          tpu.vector_store %arg12[%parallel_loop3A_506, %parallel_loop3A_507], %parallel_loop3A_510 {strides = array<i32>} : memref<40x128xf32, #tpu.memory_space<vmem>>, vector<1x16xf32>,
          %parallel_loop3A_511 = arith.index_cast %parallel_loop3A_144 : i32 to index
          %parallel_loop3A_512 = arith.constant 96 : index
          %parallel_loop3A_513 = tpu.vector_load %arg12[%parallel_loop3A_511, %parallel_loop3A_512] {strides = array<i32>} : memref<40x128xf32, #tpu.memory_space<vmem>>, vector<1x16xf32>,
          %parallel_loop3A_514 = vector.shape_cast %parallel_loop3A_513 : vector<1x16xf32> to vector<16xf32>
          %parallel_loop3A_515 = vector.shape_cast %parallel_loop3A_474 : vector<16xf32> to vector<1x16xf32>
          tpu.vector_store %arg12[%parallel_loop3A_511, %parallel_loop3A_512], %parallel_loop3A_515 {strides = array<i32>} : memref<40x128xf32, #tpu.memory_space<vmem>>, vector<1x16xf32>,
          %parallel_loop3A_516 = arith.index_cast %parallel_loop3A_144 : i32 to index
          %parallel_loop3A_517 = arith.constant 112 : index
          %parallel_loop3A_518 = tpu.vector_load %arg12[%parallel_loop3A_516, %parallel_loop3A_517] {strides = array<i32>} : memref<40x128xf32, #tpu.memory_space<vmem>>, vector<1x16xf32>,
          %parallel_loop3A_519 = vector.shape_cast %parallel_loop3A_518 : vector<1x16xf32> to vector<16xf32>
          %parallel_loop3A_520 = vector.shape_cast %parallel_loop3A_480 : vector<16xf32> to vector<1x16xf32>
          tpu.vector_store %arg12[%parallel_loop3A_516, %parallel_loop3A_517], %parallel_loop3A_520 {strides = array<i32>} : memref<40x128xf32, #tpu.memory_space<vmem>>, vector<1x16xf32>,
        } {sc.loop_unroll_factor = 1 : i64, sc.parallel_access}
        %add3A_129 = arith.addi %add3A_4, %add3A_94 : i32
        %mul3A_130 = arith.constant 40 : i32
        %mul3A_131 = arith.muli %add3A_129, %mul3A_130 : i32
        %min3A_132 = arith.constant 99960 : i32
        %min3A_133 = arith.minsi %mul3A_131, %min3A_132 : i32
        %dma_start3A_134 = arith.constant 0 : i32
        %dma_start3A_135 = tpu.memref_slice %arg4[%min3A_133, %dma_start3A_134] : memref<100000x128xf32, #tpu.memory_space<hbm>> -> memref<40x128xf32, #tpu.memory_space<hbm>>
        %dma_start3A_136 = arith.constant 0 : i32
        %dma_start3A_137 = tpu.memref_slice %arg4[%min3A_133, %dma_start3A_136] : memref<100000x128xf32, #tpu.memory_space<hbm>> -> memref<40x128xf32, #tpu.memory_space<hbm>>
        tpu.enqueue_dma source(%arg12 : memref<40x128xf32, #tpu.memory_space<vmem>>) target(%dma_start3A_137 : memref<40x128xf32, #tpu.memory_space<hbm>>) target_semaphore(%arg18 : memref<!tpu.dma_semaphore, #tpu.memory_space<semaphore_mem>>)
        %add3A_138 = arith.constant 3 : i32
        %add3A_139 = arith.addi %add3A_94, %add3A_138 : i32
        %lt3A_140 = arith.cmpi slt, %add3A_139, %add3A_8 : i32
        %convert_element_type3A_141 = arith.extui %lt3A_140 : i1 to i32
        %cond3A_142 = arith.constant 0 : i32
        %cond3A_143 = arith.cmpi ne, %convert_element_type3A_141, %cond3A_142 : i32
        scf.if %cond3A_143 {
          %add3A_144 = arith.constant 3 : i32
          %add3A_145 = arith.addi %add3A_94, %add3A_144 : i32
          %add3A_146 = arith.addi %add3A_4, %add3A_145 : i32
          %mul3A_147 = arith.constant 40 : i32
          %mul3A_148 = arith.muli %add3A_146, %mul3A_147 : i32
          %min3A_149 = arith.constant 99960 : i32
          %min3A_150 = arith.minsi %mul3A_148, %min3A_149 : i32
          %dma_start3A_151 = arith.constant 0 : i32
          %dma_start3A_152 = arith.constant 0 : i32
          %dma_start3A_153 = tpu.memref_slice %arg2[%dma_start3A_151, %min3A_150, %dma_start3A_152] : memref<3x100000x128xf32, #tpu.memory_space<hbm>> -> memref<3x40x128xf32, #tpu.memory_space<hbm>>
          %dma_start3A_154 = arith.constant 0 : i32
          %dma_start3A_155 = arith.constant 0 : i32
          %dma_start3A_156 = tpu.memref_slice %arg2[%dma_start3A_154, %min3A_150, %dma_start3A_155] : memref<3x100000x128xf32, #tpu.memory_space<hbm>> -> memref<3x40x128xf32, #tpu.memory_space<hbm>>
          tpu.enqueue_dma source(%dma_start3A_156 : memref<3x40x128xf32, #tpu.memory_space<hbm>>) target(%arg6 : memref<3x40x128xf32, #tpu.memory_space<vmem>>) target_semaphore(%arg15 : memref<!tpu.dma_semaphore, #tpu.memory_space<semaphore_mem>>)
          %dma_start3A_157 = arith.constant 0 : i32
          %dma_start3A_158 = arith.constant 0 : i32
          %dma_start3A_159 = tpu.memref_slice %arg3[%dma_start3A_157, %min3A_150, %dma_start3A_158] : memref<3x100000x128xf32, #tpu.memory_space<hbm>> -> memref<3x40x128xf32, #tpu.memory_space<hbm>>
          %dma_start3A_160 = arith.constant 0 : i32
          %dma_start3A_161 = arith.constant 0 : i32
          %dma_start3A_162 = tpu.memref_slice %arg3[%dma_start3A_160, %min3A_150, %dma_start3A_161] : memref<3x100000x128xf32, #tpu.memory_space<hbm>> -> memref<3x40x128xf32, #tpu.memory_space<hbm>>
          tpu.enqueue_dma source(%dma_start3A_162 : memref<3x40x128xf32, #tpu.memory_space<hbm>>) target(%arg9 : memref<3x40x128xf32, #tpu.memory_space<vmem>>) target_semaphore(%arg15 : memref<!tpu.dma_semaphore, #tpu.memory_space<semaphore_mem>>)
        } else {
        }
      } else {
      }
      %mul3A_99 = arith.constant 3 : i32
      %mul3A_100 = arith.muli %scan3A_84, %mul3A_99 : i32
      %add3A_101 = arith.constant 2 : i32
      %add3A_102 = arith.addi %mul3A_100, %add3A_101 : i32
      %lt3A_103 = arith.cmpi slt, %add3A_102, %add3A_8 : i32
      %convert_element_type3A_104 = arith.extui %lt3A_103 : i1 to i32
      %cond3A_105 = arith.constant 0 : i32
      %cond3A_106 = arith.cmpi ne, %convert_element_type3A_104, %cond3A_105 : i32
      scf.if %cond3A_106 {
        %dma_wait3A_107 = arith.constant 0 : i32
        %dma_wait3A_108 = arith.constant 0 : i32
        %dma_wait3A_109 = arith.constant 0 : i32
        %dma_wait3A_110 = tpu.memref_slice %arg2[%dma_wait3A_107, %dma_wait3A_108, %dma_wait3A_109] : memref<3x100000x128xf32, #tpu.memory_space<hbm>> -> memref<3x40x128xf32, #tpu.memory_space<hbm>>
        %dma_wait3A_111 = arith.constant 0 : i32
        %dma_wait3A_112 = arith.constant 0 : i32
        %dma_wait3A_113 = arith.constant 0 : i32
        %dma_wait3A_114 = tpu.memref_slice %arg2[%dma_wait3A_111, %dma_wait3A_112, %dma_wait3A_113] : memref<3x100000x128xf32, #tpu.memory_space<hbm>> -> memref<3x40x128xf32, #tpu.memory_space<hbm>>
        tpu.wait_dma2 semaphore(%arg16 : memref<!tpu.dma_semaphore, #tpu.memory_space<semaphore_mem>>) src(%dma_wait3A_114 : memref<3x40x128xf32, #tpu.memory_space<hbm>>) dst(%arg7 : memref<3x40x128xf32, #tpu.memory_space<vmem>>)
        %dma_wait3A_115 = arith.constant 0 : i32
        %dma_wait3A_116 = arith.constant 0 : i32
        %dma_wait3A_117 = arith.constant 0 : i32
        %dma_wait3A_118 = tpu.memref_slice %arg3[%dma_wait3A_115, %dma_wait3A_116, %dma_wait3A_117] : memref<3x100000x128xf32, #tpu.memory_space<hbm>> -> memref<3x40x128xf32, #tpu.memory_space<hbm>>
        %dma_wait3A_119 = arith.constant 0 : i32
        %dma_wait3A_120 = arith.constant 0 : i32
        %dma_wait3A_121 = arith.constant 0 : i32
        %dma_wait3A_122 = tpu.memref_slice %arg3[%dma_wait3A_119, %dma_wait3A_120, %dma_wait3A_121] : memref<3x100000x128xf32, #tpu.memory_space<hbm>> -> memref<3x40x128xf32, #tpu.memory_space<hbm>>
        tpu.wait_dma2 semaphore(%arg16 : memref<!tpu.dma_semaphore, #tpu.memory_space<semaphore_mem>>) src(%dma_wait3A_122 : memref<3x40x128xf32, #tpu.memory_space<hbm>>) dst(%arg10 : memref<3x40x128xf32, #tpu.memory_space<vmem>>)
        %ge3A = arith.constant 3 : i32
        %ge3A_123 = arith.cmpi sge, %add3A_102, %ge3A : i32
        %convert_element_type3A_124 = arith.extui %ge3A_123 : i1 to i32
        %cond3A_125 = arith.constant 0 : i32
        %cond3A_126 = arith.cmpi ne, %convert_element_type3A_124, %cond3A_125 : i32
        scf.if %cond3A_126 {
          %dma_wait3A_144 = arith.constant 0 : i32
          %dma_wait3A_145 = arith.constant 0 : i32
          %dma_wait3A_146 = tpu.memref_slice %arg4[%dma_wait3A_144, %dma_wait3A_145] : memref<100000x128xf32, #tpu.memory_space<hbm>> -> memref<40x128xf32, #tpu.memory_space<hbm>>
          %dma_wait3A_147 = arith.constant 0 : i32
          %dma_wait3A_148 = arith.constant 0 : i32
          %dma_wait3A_149 = tpu.memref_slice %arg4[%dma_wait3A_147, %dma_wait3A_148] : memref<100000x128xf32, #tpu.memory_space<hbm>> -> memref<40x128xf32, #tpu.memory_space<hbm>>
          tpu.wait_dma2 semaphore(%arg19 : memref<!tpu.dma_semaphore, #tpu.memory_space<semaphore_mem>>) src(%arg13 : memref<40x128xf32, #tpu.memory_space<vmem>>) dst(%dma_wait3A_149 : memref<40x128xf32, #tpu.memory_space<hbm>>)
        } else {
        }
        %parallel_loop3A = arith.constant 0 : i32
        %parallel_loop3A_127 = arith.constant 40 : i32
        %parallel_loop3A_128 = arith.constant 1 : i32
        scf.for %parallel_loop3A_144 = %parallel_loop3A to %parallel_loop3A_127 step %parallel_loop3A_128  : i32 {
          %parallel_loop3A_145 = arith.constant 0 : i32
          %parallel_loop3A_146 = arith.index_cast %parallel_loop3A_145 : i32 to index
          %parallel_loop3A_147 = arith.index_cast %parallel_loop3A_144 : i32 to index
          %parallel_loop3A_148 = arith.constant 0 : index
          %parallel_loop3A_149 = tpu.vector_load %arg7[%parallel_loop3A_146, %parallel_loop3A_147, %parallel_loop3A_148] {strides = array<i32>} : memref<3x40x128xf32, #tpu.memory_space<vmem>>, vector<1x1x16xf32>,
          %parallel_loop3A_150 = vector.shape_cast %parallel_loop3A_149 : vector<1x1x16xf32> to vector<16xf32>
          %parallel_loop3A_151 = arith.constant 1 : i32
          %parallel_loop3A_152 = arith.index_cast %parallel_loop3A_151 : i32 to index
          %parallel_loop3A_153 = arith.index_cast %parallel_loop3A_144 : i32 to index
          %parallel_loop3A_154 = arith.constant 0 : index
          %parallel_loop3A_155 = tpu.vector_load %arg7[%parallel_loop3A_152, %parallel_loop3A_153, %parallel_loop3A_154] {strides = array<i32>} : memref<3x40x128xf32, #tpu.memory_space<vmem>>, vector<1x1x16xf32>,
          %parallel_loop3A_156 = vector.shape_cast %parallel_loop3A_155 : vector<1x1x16xf32> to vector<16xf32>
          %parallel_loop3A_157 = arith.constant 2 : i32
          %parallel_loop3A_158 = arith.index_cast %parallel_loop3A_157 : i32 to index
          %parallel_loop3A_159 = arith.index_cast %parallel_loop3A_144 : i32 to index
          %parallel_loop3A_160 = arith.constant 0 : index
          %parallel_loop3A_161 = tpu.vector_load %arg7[%parallel_loop3A_158, %parallel_loop3A_159, %parallel_loop3A_160] {strides = array<i32>} : memref<3x40x128xf32, #tpu.memory_space<vmem>>, vector<1x1x16xf32>,
          %parallel_loop3A_162 = vector.shape_cast %parallel_loop3A_161 : vector<1x1x16xf32> to vector<16xf32>
          %parallel_loop3A_163 = arith.constant 0 : i32
          %parallel_loop3A_164 = arith.index_cast %parallel_loop3A_163 : i32 to index
          %parallel_loop3A_165 = arith.index_cast %parallel_loop3A_144 : i32 to index
          %parallel_loop3A_166 = arith.constant 0 : index
          %parallel_loop3A_167 = tpu.vector_load %arg10[%parallel_loop3A_164, %parallel_loop3A_165, %parallel_loop3A_166] {strides = array<i32>} : memref<3x40x128xf32, #tpu.memory_space<vmem>>, vector<1x1x16xf32>,
          %parallel_loop3A_168 = vector.shape_cast %parallel_loop3A_167 : vector<1x1x16xf32> to vector<16xf32>
          %parallel_loop3A_169 = arith.constant 1 : i32
          %parallel_loop3A_170 = arith.index_cast %parallel_loop3A_169 : i32 to index
          %parallel_loop3A_171 = arith.index_cast %parallel_loop3A_144 : i32 to index
          %parallel_loop3A_172 = arith.constant 0 : index
          %parallel_loop3A_173 = tpu.vector_load %arg10[%parallel_loop3A_170, %parallel_loop3A_171, %parallel_loop3A_172] {strides = array<i32>} : memref<3x40x128xf32, #tpu.memory_space<vmem>>, vector<1x1x16xf32>,
          %parallel_loop3A_174 = vector.shape_cast %parallel_loop3A_173 : vector<1x1x16xf32> to vector<16xf32>
          %parallel_loop3A_175 = arith.constant 2 : i32
          %parallel_loop3A_176 = arith.index_cast %parallel_loop3A_175 : i32 to index
          %parallel_loop3A_177 = arith.index_cast %parallel_loop3A_144 : i32 to index
          %parallel_loop3A_178 = arith.constant 0 : index
          %parallel_loop3A_179 = tpu.vector_load %arg10[%parallel_loop3A_176, %parallel_loop3A_177, %parallel_loop3A_178] {strides = array<i32>} : memref<3x40x128xf32, #tpu.memory_space<vmem>>, vector<1x1x16xf32>,
          %parallel_loop3A_180 = vector.shape_cast %parallel_loop3A_179 : vector<1x1x16xf32> to vector<16xf32>
          %parallel_loop3A_181 = arith.constant 0 : i32
          %parallel_loop3A_182 = arith.index_cast %parallel_loop3A_181 : i32 to index
          %parallel_loop3A_183 = arith.index_cast %parallel_loop3A_144 : i32 to index
          %parallel_loop3A_184 = arith.constant 16 : index
          %parallel_loop3A_185 = tpu.vector_load %arg7[%parallel_loop3A_182, %parallel_loop3A_183, %parallel_loop3A_184] {strides = array<i32>} : memref<3x40x128xf32, #tpu.memory_space<vmem>>, vector<1x1x16xf32>,
          %parallel_loop3A_186 = vector.shape_cast %parallel_loop3A_185 : vector<1x1x16xf32> to vector<16xf32>
          %parallel_loop3A_187 = arith.constant 1 : i32
          %parallel_loop3A_188 = arith.index_cast %parallel_loop3A_187 : i32 to index
          %parallel_loop3A_189 = arith.index_cast %parallel_loop3A_144 : i32 to index
          %parallel_loop3A_190 = arith.constant 16 : index
          %parallel_loop3A_191 = tpu.vector_load %arg7[%parallel_loop3A_188, %parallel_loop3A_189, %parallel_loop3A_190] {strides = array<i32>} : memref<3x40x128xf32, #tpu.memory_space<vmem>>, vector<1x1x16xf32>,
          %parallel_loop3A_192 = vector.shape_cast %parallel_loop3A_191 : vector<1x1x16xf32> to vector<16xf32>
          %parallel_loop3A_193 = arith.constant 2 : i32
          %parallel_loop3A_194 = arith.index_cast %parallel_loop3A_193 : i32 to index
          %parallel_loop3A_195 = arith.index_cast %parallel_loop3A_144 : i32 to index
          %parallel_loop3A_196 = arith.constant 16 : index
          %parallel_loop3A_197 = tpu.vector_load %arg7[%parallel_loop3A_194, %parallel_loop3A_195, %parallel_loop3A_196] {strides = array<i32>} : memref<3x40x128xf32, #tpu.memory_space<vmem>>, vector<1x1x16xf32>,
          %parallel_loop3A_198 = vector.shape_cast %parallel_loop3A_197 : vector<1x1x16xf32> to vector<16xf32>
          %parallel_loop3A_199 = arith.constant 0 : i32
          %parallel_loop3A_200 = arith.index_cast %parallel_loop3A_199 : i32 to index
          %parallel_loop3A_201 = arith.index_cast %parallel_loop3A_144 : i32 to index
          %parallel_loop3A_202 = arith.constant 16 : index
          %parallel_loop3A_203 = tpu.vector_load %arg10[%parallel_loop3A_200, %parallel_loop3A_201, %parallel_loop3A_202] {strides = array<i32>} : memref<3x40x128xf32, #tpu.memory_space<vmem>>, vector<1x1x16xf32>,
          %parallel_loop3A_204 = vector.shape_cast %parallel_loop3A_203 : vector<1x1x16xf32> to vector<16xf32>
          %parallel_loop3A_205 = arith.constant 1 : i32
          %parallel_loop3A_206 = arith.index_cast %parallel_loop3A_205 : i32 to index
          %parallel_loop3A_207 = arith.index_cast %parallel_loop3A_144 : i32 to index
          %parallel_loop3A_208 = arith.constant 16 : index
          %parallel_loop3A_209 = tpu.vector_load %arg10[%parallel_loop3A_206, %parallel_loop3A_207, %parallel_loop3A_208] {strides = array<i32>} : memref<3x40x128xf32, #tpu.memory_space<vmem>>, vector<1x1x16xf32>,
          %parallel_loop3A_210 = vector.shape_cast %parallel_loop3A_209 : vector<1x1x16xf32> to vector<16xf32>
          %parallel_loop3A_211 = arith.constant 2 : i32
          %parallel_loop3A_212 = arith.index_cast %parallel_loop3A_211 : i32 to index
          %parallel_loop3A_213 = arith.index_cast %parallel_loop3A_144 : i32 to index
          %parallel_loop3A_214 = arith.constant 16 : index
          %parallel_loop3A_215 = tpu.vector_load %arg10[%parallel_loop3A_212, %parallel_loop3A_213, %parallel_loop3A_214] {strides = array<i32>} : memref<3x40x128xf32, #tpu.memory_space<vmem>>, vector<1x1x16xf32>,
          %parallel_loop3A_216 = vector.shape_cast %parallel_loop3A_215 : vector<1x1x16xf32> to vector<16xf32>
          %parallel_loop3A_217 = arith.constant 0 : i32
          %parallel_loop3A_218 = arith.index_cast %parallel_loop3A_217 : i32 to index
          %parallel_loop3A_219 = arith.index_cast %parallel_loop3A_144 : i32 to index
          %parallel_loop3A_220 = arith.constant 32 : index
          %parallel_loop3A_221 = tpu.vector_load %arg7[%parallel_loop3A_218, %parallel_loop3A_219, %parallel_loop3A_220] {strides = array<i32>} : memref<3x40x128xf32, #tpu.memory_space<vmem>>, vector<1x1x16xf32>,
          %parallel_loop3A_222 = vector.shape_cast %parallel_loop3A_221 : vector<1x1x16xf32> to vector<16xf32>
          %parallel_loop3A_223 = arith.constant 1 : i32
          %parallel_loop3A_224 = arith.index_cast %parallel_loop3A_223 : i32 to index
          %parallel_loop3A_225 = arith.index_cast %parallel_loop3A_144 : i32 to index
          %parallel_loop3A_226 = arith.constant 32 : index
          %parallel_loop3A_227 = tpu.vector_load %arg7[%parallel_loop3A_224, %parallel_loop3A_225, %parallel_loop3A_226] {strides = array<i32>} : memref<3x40x128xf32, #tpu.memory_space<vmem>>, vector<1x1x16xf32>,
          %parallel_loop3A_228 = vector.shape_cast %parallel_loop3A_227 : vector<1x1x16xf32> to vector<16xf32>
          %parallel_loop3A_229 = arith.constant 2 : i32
          %parallel_loop3A_230 = arith.index_cast %parallel_loop3A_229 : i32 to index
          %parallel_loop3A_231 = arith.index_cast %parallel_loop3A_144 : i32 to index
          %parallel_loop3A_232 = arith.constant 32 : index
          %parallel_loop3A_233 = tpu.vector_load %arg7[%parallel_loop3A_230, %parallel_loop3A_231, %parallel_loop3A_232] {strides = array<i32>} : memref<3x40x128xf32, #tpu.memory_space<vmem>>, vector<1x1x16xf32>,
          %parallel_loop3A_234 = vector.shape_cast %parallel_loop3A_233 : vector<1x1x16xf32> to vector<16xf32>
          %parallel_loop3A_235 = arith.constant 0 : i32
          %parallel_loop3A_236 = arith.index_cast %parallel_loop3A_235 : i32 to index
          %parallel_loop3A_237 = arith.index_cast %parallel_loop3A_144 : i32 to index
          %parallel_loop3A_238 = arith.constant 32 : index
          %parallel_loop3A_239 = tpu.vector_load %arg10[%parallel_loop3A_236, %parallel_loop3A_237, %parallel_loop3A_238] {strides = array<i32>} : memref<3x40x128xf32, #tpu.memory_space<vmem>>, vector<1x1x16xf32>,
          %parallel_loop3A_240 = vector.shape_cast %parallel_loop3A_239 : vector<1x1x16xf32> to vector<16xf32>
          %parallel_loop3A_241 = arith.constant 1 : i32
          %parallel_loop3A_242 = arith.index_cast %parallel_loop3A_241 : i32 to index
          %parallel_loop3A_243 = arith.index_cast %parallel_loop3A_144 : i32 to index
          %parallel_loop3A_244 = arith.constant 32 : index
          %parallel_loop3A_245 = tpu.vector_load %arg10[%parallel_loop3A_242, %parallel_loop3A_243, %parallel_loop3A_244] {strides = array<i32>} : memref<3x40x128xf32, #tpu.memory_space<vmem>>, vector<1x1x16xf32>,
          %parallel_loop3A_246 = vector.shape_cast %parallel_loop3A_245 : vector<1x1x16xf32> to vector<16xf32>
          %parallel_loop3A_247 = arith.constant 2 : i32
          %parallel_loop3A_248 = arith.index_cast %parallel_loop3A_247 : i32 to index
          %parallel_loop3A_249 = arith.index_cast %parallel_loop3A_144 : i32 to index
          %parallel_loop3A_250 = arith.constant 32 : index
          %parallel_loop3A_251 = tpu.vector_load %arg10[%parallel_loop3A_248, %parallel_loop3A_249, %parallel_loop3A_250] {strides = array<i32>} : memref<3x40x128xf32, #tpu.memory_space<vmem>>, vector<1x1x16xf32>,
          %parallel_loop3A_252 = vector.shape_cast %parallel_loop3A_251 : vector<1x1x16xf32> to vector<16xf32>
          %parallel_loop3A_253 = arith.constant 0 : i32
          %parallel_loop3A_254 = arith.index_cast %parallel_loop3A_253 : i32 to index
          %parallel_loop3A_255 = arith.index_cast %parallel_loop3A_144 : i32 to index
          %parallel_loop3A_256 = arith.constant 48 : index
          %parallel_loop3A_257 = tpu.vector_load %arg7[%parallel_loop3A_254, %parallel_loop3A_255, %parallel_loop3A_256] {strides = array<i32>} : memref<3x40x128xf32, #tpu.memory_space<vmem>>, vector<1x1x16xf32>,
          %parallel_loop3A_258 = vector.shape_cast %parallel_loop3A_257 : vector<1x1x16xf32> to vector<16xf32>
          %parallel_loop3A_259 = arith.constant 1 : i32
          %parallel_loop3A_260 = arith.index_cast %parallel_loop3A_259 : i32 to index
          %parallel_loop3A_261 = arith.index_cast %parallel_loop3A_144 : i32 to index
          %parallel_loop3A_262 = arith.constant 48 : index
          %parallel_loop3A_263 = tpu.vector_load %arg7[%parallel_loop3A_260, %parallel_loop3A_261, %parallel_loop3A_262] {strides = array<i32>} : memref<3x40x128xf32, #tpu.memory_space<vmem>>, vector<1x1x16xf32>,
          %parallel_loop3A_264 = vector.shape_cast %parallel_loop3A_263 : vector<1x1x16xf32> to vector<16xf32>
          %parallel_loop3A_265 = arith.constant 2 : i32
          %parallel_loop3A_266 = arith.index_cast %parallel_loop3A_265 : i32 to index
          %parallel_loop3A_267 = arith.index_cast %parallel_loop3A_144 : i32 to index
          %parallel_loop3A_268 = arith.constant 48 : index
          %parallel_loop3A_269 = tpu.vector_load %arg7[%parallel_loop3A_266, %parallel_loop3A_267, %parallel_loop3A_268] {strides = array<i32>} : memref<3x40x128xf32, #tpu.memory_space<vmem>>, vector<1x1x16xf32>,
          %parallel_loop3A_270 = vector.shape_cast %parallel_loop3A_269 : vector<1x1x16xf32> to vector<16xf32>
          %parallel_loop3A_271 = arith.constant 0 : i32
          %parallel_loop3A_272 = arith.index_cast %parallel_loop3A_271 : i32 to index
          %parallel_loop3A_273 = arith.index_cast %parallel_loop3A_144 : i32 to index
          %parallel_loop3A_274 = arith.constant 48 : index
          %parallel_loop3A_275 = tpu.vector_load %arg10[%parallel_loop3A_272, %parallel_loop3A_273, %parallel_loop3A_274] {strides = array<i32>} : memref<3x40x128xf32, #tpu.memory_space<vmem>>, vector<1x1x16xf32>,
          %parallel_loop3A_276 = vector.shape_cast %parallel_loop3A_275 : vector<1x1x16xf32> to vector<16xf32>
          %parallel_loop3A_277 = arith.constant 1 : i32
          %parallel_loop3A_278 = arith.index_cast %parallel_loop3A_277 : i32 to index
          %parallel_loop3A_279 = arith.index_cast %parallel_loop3A_144 : i32 to index
          %parallel_loop3A_280 = arith.constant 48 : index
          %parallel_loop3A_281 = tpu.vector_load %arg10[%parallel_loop3A_278, %parallel_loop3A_279, %parallel_loop3A_280] {strides = array<i32>} : memref<3x40x128xf32, #tpu.memory_space<vmem>>, vector<1x1x16xf32>,
          %parallel_loop3A_282 = vector.shape_cast %parallel_loop3A_281 : vector<1x1x16xf32> to vector<16xf32>
          %parallel_loop3A_283 = arith.constant 2 : i32
          %parallel_loop3A_284 = arith.index_cast %parallel_loop3A_283 : i32 to index
          %parallel_loop3A_285 = arith.index_cast %parallel_loop3A_144 : i32 to index
          %parallel_loop3A_286 = arith.constant 48 : index
          %parallel_loop3A_287 = tpu.vector_load %arg10[%parallel_loop3A_284, %parallel_loop3A_285, %parallel_loop3A_286] {strides = array<i32>} : memref<3x40x128xf32, #tpu.memory_space<vmem>>, vector<1x1x16xf32>,
          %parallel_loop3A_288 = vector.shape_cast %parallel_loop3A_287 : vector<1x1x16xf32> to vector<16xf32>
          %parallel_loop3A_289 = arith.constant 0 : i32
          %parallel_loop3A_290 = arith.index_cast %parallel_loop3A_289 : i32 to index
          %parallel_loop3A_291 = arith.index_cast %parallel_loop3A_144 : i32 to index
          %parallel_loop3A_292 = arith.constant 64 : index
          %parallel_loop3A_293 = tpu.vector_load %arg7[%parallel_loop3A_290, %parallel_loop3A_291, %parallel_loop3A_292] {strides = array<i32>} : memref<3x40x128xf32, #tpu.memory_space<vmem>>, vector<1x1x16xf32>,
          %parallel_loop3A_294 = vector.shape_cast %parallel_loop3A_293 : vector<1x1x16xf32> to vector<16xf32>
          %parallel_loop3A_295 = arith.constant 1 : i32
          %parallel_loop3A_296 = arith.index_cast %parallel_loop3A_295 : i32 to index
          %parallel_loop3A_297 = arith.index_cast %parallel_loop3A_144 : i32 to index
          %parallel_loop3A_298 = arith.constant 64 : index
          %parallel_loop3A_299 = tpu.vector_load %arg7[%parallel_loop3A_296, %parallel_loop3A_297, %parallel_loop3A_298] {strides = array<i32>} : memref<3x40x128xf32, #tpu.memory_space<vmem>>, vector<1x1x16xf32>,
          %parallel_loop3A_300 = vector.shape_cast %parallel_loop3A_299 : vector<1x1x16xf32> to vector<16xf32>
          %parallel_loop3A_301 = arith.constant 2 : i32
          %parallel_loop3A_302 = arith.index_cast %parallel_loop3A_301 : i32 to index
          %parallel_loop3A_303 = arith.index_cast %parallel_loop3A_144 : i32 to index
          %parallel_loop3A_304 = arith.constant 64 : index
          %parallel_loop3A_305 = tpu.vector_load %arg7[%parallel_loop3A_302, %parallel_loop3A_303, %parallel_loop3A_304] {strides = array<i32>} : memref<3x40x128xf32, #tpu.memory_space<vmem>>, vector<1x1x16xf32>,
          %parallel_loop3A_306 = vector.shape_cast %parallel_loop3A_305 : vector<1x1x16xf32> to vector<16xf32>
          %parallel_loop3A_307 = arith.constant 0 : i32
          %parallel_loop3A_308 = arith.index_cast %parallel_loop3A_307 : i32 to index
          %parallel_loop3A_309 = arith.index_cast %parallel_loop3A_144 : i32 to index
          %parallel_loop3A_310 = arith.constant 64 : index
          %parallel_loop3A_311 = tpu.vector_load %arg10[%parallel_loop3A_308, %parallel_loop3A_309, %parallel_loop3A_310] {strides = array<i32>} : memref<3x40x128xf32, #tpu.memory_space<vmem>>, vector<1x1x16xf32>,
          %parallel_loop3A_312 = vector.shape_cast %parallel_loop3A_311 : vector<1x1x16xf32> to vector<16xf32>
          %parallel_loop3A_313 = arith.constant 1 : i32
          %parallel_loop3A_314 = arith.index_cast %parallel_loop3A_313 : i32 to index
          %parallel_loop3A_315 = arith.index_cast %parallel_loop3A_144 : i32 to index
          %parallel_loop3A_316 = arith.constant 64 : index
          %parallel_loop3A_317 = tpu.vector_load %arg10[%parallel_loop3A_314, %parallel_loop3A_315, %parallel_loop3A_316] {strides = array<i32>} : memref<3x40x128xf32, #tpu.memory_space<vmem>>, vector<1x1x16xf32>,
          %parallel_loop3A_318 = vector.shape_cast %parallel_loop3A_317 : vector<1x1x16xf32> to vector<16xf32>
          %parallel_loop3A_319 = arith.constant 2 : i32
          %parallel_loop3A_320 = arith.index_cast %parallel_loop3A_319 : i32 to index
          %parallel_loop3A_321 = arith.index_cast %parallel_loop3A_144 : i32 to index
          %parallel_loop3A_322 = arith.constant 64 : index
          %parallel_loop3A_323 = tpu.vector_load %arg10[%parallel_loop3A_320, %parallel_loop3A_321, %parallel_loop3A_322] {strides = array<i32>} : memref<3x40x128xf32, #tpu.memory_space<vmem>>, vector<1x1x16xf32>,
          %parallel_loop3A_324 = vector.shape_cast %parallel_loop3A_323 : vector<1x1x16xf32> to vector<16xf32>
          %parallel_loop3A_325 = arith.constant 0 : i32
          %parallel_loop3A_326 = arith.index_cast %parallel_loop3A_325 : i32 to index
          %parallel_loop3A_327 = arith.index_cast %parallel_loop3A_144 : i32 to index
          %parallel_loop3A_328 = arith.constant 80 : index
          %parallel_loop3A_329 = tpu.vector_load %arg7[%parallel_loop3A_326, %parallel_loop3A_327, %parallel_loop3A_328] {strides = array<i32>} : memref<3x40x128xf32, #tpu.memory_space<vmem>>, vector<1x1x16xf32>,
          %parallel_loop3A_330 = vector.shape_cast %parallel_loop3A_329 : vector<1x1x16xf32> to vector<16xf32>
          %parallel_loop3A_331 = arith.constant 1 : i32
          %parallel_loop3A_332 = arith.index_cast %parallel_loop3A_331 : i32 to index
          %parallel_loop3A_333 = arith.index_cast %parallel_loop3A_144 : i32 to index
          %parallel_loop3A_334 = arith.constant 80 : index
          %parallel_loop3A_335 = tpu.vector_load %arg7[%parallel_loop3A_332, %parallel_loop3A_333, %parallel_loop3A_334] {strides = array<i32>} : memref<3x40x128xf32, #tpu.memory_space<vmem>>, vector<1x1x16xf32>,
          %parallel_loop3A_336 = vector.shape_cast %parallel_loop3A_335 : vector<1x1x16xf32> to vector<16xf32>
          %parallel_loop3A_337 = arith.constant 2 : i32
          %parallel_loop3A_338 = arith.index_cast %parallel_loop3A_337 : i32 to index
          %parallel_loop3A_339 = arith.index_cast %parallel_loop3A_144 : i32 to index
          %parallel_loop3A_340 = arith.constant 80 : index
          %parallel_loop3A_341 = tpu.vector_load %arg7[%parallel_loop3A_338, %parallel_loop3A_339, %parallel_loop3A_340] {strides = array<i32>} : memref<3x40x128xf32, #tpu.memory_space<vmem>>, vector<1x1x16xf32>,
          %parallel_loop3A_342 = vector.shape_cast %parallel_loop3A_341 : vector<1x1x16xf32> to vector<16xf32>
          %parallel_loop3A_343 = arith.constant 0 : i32
          %parallel_loop3A_344 = arith.index_cast %parallel_loop3A_343 : i32 to index
          %parallel_loop3A_345 = arith.index_cast %parallel_loop3A_144 : i32 to index
          %parallel_loop3A_346 = arith.constant 80 : index
          %parallel_loop3A_347 = tpu.vector_load %arg10[%parallel_loop3A_344, %parallel_loop3A_345, %parallel_loop3A_346] {strides = array<i32>} : memref<3x40x128xf32, #tpu.memory_space<vmem>>, vector<1x1x16xf32>,
          %parallel_loop3A_348 = vector.shape_cast %parallel_loop3A_347 : vector<1x1x16xf32> to vector<16xf32>
          %parallel_loop3A_349 = arith.constant 1 : i32
          %parallel_loop3A_350 = arith.index_cast %parallel_loop3A_349 : i32 to index
          %parallel_loop3A_351 = arith.index_cast %parallel_loop3A_144 : i32 to index
          %parallel_loop3A_352 = arith.constant 80 : index
          %parallel_loop3A_353 = tpu.vector_load %arg10[%parallel_loop3A_350, %parallel_loop3A_351, %parallel_loop3A_352] {strides = array<i32>} : memref<3x40x128xf32, #tpu.memory_space<vmem>>, vector<1x1x16xf32>,
          %parallel_loop3A_354 = vector.shape_cast %parallel_loop3A_353 : vector<1x1x16xf32> to vector<16xf32>
          %parallel_loop3A_355 = arith.constant 2 : i32
          %parallel_loop3A_356 = arith.index_cast %parallel_loop3A_355 : i32 to index
          %parallel_loop3A_357 = arith.index_cast %parallel_loop3A_144 : i32 to index
          %parallel_loop3A_358 = arith.constant 80 : index
          %parallel_loop3A_359 = tpu.vector_load %arg10[%parallel_loop3A_356, %parallel_loop3A_357, %parallel_loop3A_358] {strides = array<i32>} : memref<3x40x128xf32, #tpu.memory_space<vmem>>, vector<1x1x16xf32>,
          %parallel_loop3A_360 = vector.shape_cast %parallel_loop3A_359 : vector<1x1x16xf32> to vector<16xf32>
          %parallel_loop3A_361 = arith.constant 0 : i32
          %parallel_loop3A_362 = arith.index_cast %parallel_loop3A_361 : i32 to index
          %parallel_loop3A_363 = arith.index_cast %parallel_loop3A_144 : i32 to index
          %parallel_loop3A_364 = arith.constant 96 : index
          %parallel_loop3A_365 = tpu.vector_load %arg7[%parallel_loop3A_362, %parallel_loop3A_363, %parallel_loop3A_364] {strides = array<i32>} : memref<3x40x128xf32, #tpu.memory_space<vmem>>, vector<1x1x16xf32>,
          %parallel_loop3A_366 = vector.shape_cast %parallel_loop3A_365 : vector<1x1x16xf32> to vector<16xf32>
          %parallel_loop3A_367 = arith.constant 1 : i32
          %parallel_loop3A_368 = arith.index_cast %parallel_loop3A_367 : i32 to index
          %parallel_loop3A_369 = arith.index_cast %parallel_loop3A_144 : i32 to index
          %parallel_loop3A_370 = arith.constant 96 : index
          %parallel_loop3A_371 = tpu.vector_load %arg7[%parallel_loop3A_368, %parallel_loop3A_369, %parallel_loop3A_370] {strides = array<i32>} : memref<3x40x128xf32, #tpu.memory_space<vmem>>, vector<1x1x16xf32>,
          %parallel_loop3A_372 = vector.shape_cast %parallel_loop3A_371 : vector<1x1x16xf32> to vector<16xf32>
          %parallel_loop3A_373 = arith.constant 2 : i32
          %parallel_loop3A_374 = arith.index_cast %parallel_loop3A_373 : i32 to index
          %parallel_loop3A_375 = arith.index_cast %parallel_loop3A_144 : i32 to index
          %parallel_loop3A_376 = arith.constant 96 : index
          %parallel_loop3A_377 = tpu.vector_load %arg7[%parallel_loop3A_374, %parallel_loop3A_375, %parallel_loop3A_376] {strides = array<i32>} : memref<3x40x128xf32, #tpu.memory_space<vmem>>, vector<1x1x16xf32>,
          %parallel_loop3A_378 = vector.shape_cast %parallel_loop3A_377 : vector<1x1x16xf32> to vector<16xf32>
          %parallel_loop3A_379 = arith.constant 0 : i32
          %parallel_loop3A_380 = arith.index_cast %parallel_loop3A_379 : i32 to index
          %parallel_loop3A_381 = arith.index_cast %parallel_loop3A_144 : i32 to index
          %parallel_loop3A_382 = arith.constant 96 : index
          %parallel_loop3A_383 = tpu.vector_load %arg10[%parallel_loop3A_380, %parallel_loop3A_381, %parallel_loop3A_382] {strides = array<i32>} : memref<3x40x128xf32, #tpu.memory_space<vmem>>, vector<1x1x16xf32>,
          %parallel_loop3A_384 = vector.shape_cast %parallel_loop3A_383 : vector<1x1x16xf32> to vector<16xf32>
          %parallel_loop3A_385 = arith.constant 1 : i32
          %parallel_loop3A_386 = arith.index_cast %parallel_loop3A_385 : i32 to index
          %parallel_loop3A_387 = arith.index_cast %parallel_loop3A_144 : i32 to index
          %parallel_loop3A_388 = arith.constant 96 : index
          %parallel_loop3A_389 = tpu.vector_load %arg10[%parallel_loop3A_386, %parallel_loop3A_387, %parallel_loop3A_388] {strides = array<i32>} : memref<3x40x128xf32, #tpu.memory_space<vmem>>, vector<1x1x16xf32>,
          %parallel_loop3A_390 = vector.shape_cast %parallel_loop3A_389 : vector<1x1x16xf32> to vector<16xf32>
          %parallel_loop3A_391 = arith.constant 2 : i32
          %parallel_loop3A_392 = arith.index_cast %parallel_loop3A_391 : i32 to index
          %parallel_loop3A_393 = arith.index_cast %parallel_loop3A_144 : i32 to index
          %parallel_loop3A_394 = arith.constant 96 : index
          %parallel_loop3A_395 = tpu.vector_load %arg10[%parallel_loop3A_392, %parallel_loop3A_393, %parallel_loop3A_394] {strides = array<i32>} : memref<3x40x128xf32, #tpu.memory_space<vmem>>, vector<1x1x16xf32>,
          %parallel_loop3A_396 = vector.shape_cast %parallel_loop3A_395 : vector<1x1x16xf32> to vector<16xf32>
          %parallel_loop3A_397 = arith.constant 0 : i32
          %parallel_loop3A_398 = arith.index_cast %parallel_loop3A_397 : i32 to index
          %parallel_loop3A_399 = arith.index_cast %parallel_loop3A_144 : i32 to index
          %parallel_loop3A_400 = arith.constant 112 : index
          %parallel_loop3A_401 = tpu.vector_load %arg7[%parallel_loop3A_398, %parallel_loop3A_399, %parallel_loop3A_400] {strides = array<i32>} : memref<3x40x128xf32, #tpu.memory_space<vmem>>, vector<1x1x16xf32>,
          %parallel_loop3A_402 = vector.shape_cast %parallel_loop3A_401 : vector<1x1x16xf32> to vector<16xf32>
          %parallel_loop3A_403 = arith.constant 1 : i32
          %parallel_loop3A_404 = arith.index_cast %parallel_loop3A_403 : i32 to index
          %parallel_loop3A_405 = arith.index_cast %parallel_loop3A_144 : i32 to index
          %parallel_loop3A_406 = arith.constant 112 : index
          %parallel_loop3A_407 = tpu.vector_load %arg7[%parallel_loop3A_404, %parallel_loop3A_405, %parallel_loop3A_406] {strides = array<i32>} : memref<3x40x128xf32, #tpu.memory_space<vmem>>, vector<1x1x16xf32>,
          %parallel_loop3A_408 = vector.shape_cast %parallel_loop3A_407 : vector<1x1x16xf32> to vector<16xf32>
          %parallel_loop3A_409 = arith.constant 2 : i32
          %parallel_loop3A_410 = arith.index_cast %parallel_loop3A_409 : i32 to index
          %parallel_loop3A_411 = arith.index_cast %parallel_loop3A_144 : i32 to index
          %parallel_loop3A_412 = arith.constant 112 : index
          %parallel_loop3A_413 = tpu.vector_load %arg7[%parallel_loop3A_410, %parallel_loop3A_411, %parallel_loop3A_412] {strides = array<i32>} : memref<3x40x128xf32, #tpu.memory_space<vmem>>, vector<1x1x16xf32>,
          %parallel_loop3A_414 = vector.shape_cast %parallel_loop3A_413 : vector<1x1x16xf32> to vector<16xf32>
          %parallel_loop3A_415 = arith.constant 0 : i32
          %parallel_loop3A_416 = arith.index_cast %parallel_loop3A_415 : i32 to index
          %parallel_loop3A_417 = arith.index_cast %parallel_loop3A_144 : i32 to index
          %parallel_loop3A_418 = arith.constant 112 : index
          %parallel_loop3A_419 = tpu.vector_load %arg10[%parallel_loop3A_416, %parallel_loop3A_417, %parallel_loop3A_418] {strides = array<i32>} : memref<3x40x128xf32, #tpu.memory_space<vmem>>, vector<1x1x16xf32>,
          %parallel_loop3A_420 = vector.shape_cast %parallel_loop3A_419 : vector<1x1x16xf32> to vector<16xf32>
          %parallel_loop3A_421 = arith.constant 1 : i32
          %parallel_loop3A_422 = arith.index_cast %parallel_loop3A_421 : i32 to index
          %parallel_loop3A_423 = arith.index_cast %parallel_loop3A_144 : i32 to index
          %parallel_loop3A_424 = arith.constant 112 : index
          %parallel_loop3A_425 = tpu.vector_load %arg10[%parallel_loop3A_422, %parallel_loop3A_423, %parallel_loop3A_424] {strides = array<i32>} : memref<3x40x128xf32, #tpu.memory_space<vmem>>, vector<1x1x16xf32>,
          %parallel_loop3A_426 = vector.shape_cast %parallel_loop3A_425 : vector<1x1x16xf32> to vector<16xf32>
          %parallel_loop3A_427 = arith.constant 2 : i32
          %parallel_loop3A_428 = arith.index_cast %parallel_loop3A_427 : i32 to index
          %parallel_loop3A_429 = arith.index_cast %parallel_loop3A_144 : i32 to index
          %parallel_loop3A_430 = arith.constant 112 : index
          %parallel_loop3A_431 = tpu.vector_load %arg10[%parallel_loop3A_428, %parallel_loop3A_429, %parallel_loop3A_430] {strides = array<i32>} : memref<3x40x128xf32, #tpu.memory_space<vmem>>, vector<1x1x16xf32>,
          %parallel_loop3A_432 = vector.shape_cast %parallel_loop3A_431 : vector<1x1x16xf32> to vector<16xf32>
          %parallel_loop3A_433 = arith.constant 0.333333343 : f32
          %parallel_loop3A_434 = vector.broadcast %parallel_loop3A_433 : f32 to vector<16xf32>
          %parallel_loop3A_435 = arith.mulf %parallel_loop3A_150, %parallel_loop3A_434 : vector<16xf32>
          %parallel_loop3A_436 = arith.constant 0.000000e+00 : f32
          %parallel_loop3A_437 = vector.broadcast %parallel_loop3A_436 : f32 to vector<16xf32>
          %parallel_loop3A_438 = arith.maximumf %parallel_loop3A_435, %parallel_loop3A_437 : vector<16xf32>
          %parallel_loop3A_439 = arith.constant 0.333333343 : f32
          %parallel_loop3A_440 = vector.broadcast %parallel_loop3A_439 : f32 to vector<16xf32>
          %parallel_loop3A_441 = arith.mulf %parallel_loop3A_186, %parallel_loop3A_440 : vector<16xf32>
          %parallel_loop3A_442 = arith.constant 0.000000e+00 : f32
          %parallel_loop3A_443 = vector.broadcast %parallel_loop3A_442 : f32 to vector<16xf32>
          %parallel_loop3A_444 = arith.maximumf %parallel_loop3A_441, %parallel_loop3A_443 : vector<16xf32>
          %parallel_loop3A_445 = arith.constant 0.333333343 : f32
          %parallel_loop3A_446 = vector.broadcast %parallel_loop3A_445 : f32 to vector<16xf32>
          %parallel_loop3A_447 = arith.mulf %parallel_loop3A_222, %parallel_loop3A_446 : vector<16xf32>
          %parallel_loop3A_448 = arith.constant 0.000000e+00 : f32
          %parallel_loop3A_449 = vector.broadcast %parallel_loop3A_448 : f32 to vector<16xf32>
          %parallel_loop3A_450 = arith.maximumf %parallel_loop3A_447, %parallel_loop3A_449 : vector<16xf32>
          %parallel_loop3A_451 = arith.constant 0.333333343 : f32
          %parallel_loop3A_452 = vector.broadcast %parallel_loop3A_451 : f32 to vector<16xf32>
          %parallel_loop3A_453 = arith.mulf %parallel_loop3A_258, %parallel_loop3A_452 : vector<16xf32>
          %parallel_loop3A_454 = arith.constant 0.000000e+00 : f32
          %parallel_loop3A_455 = vector.broadcast %parallel_loop3A_454 : f32 to vector<16xf32>
          %parallel_loop3A_456 = arith.maximumf %parallel_loop3A_453, %parallel_loop3A_455 : vector<16xf32>
          %parallel_loop3A_457 = arith.constant 0.333333343 : f32
          %parallel_loop3A_458 = vector.broadcast %parallel_loop3A_457 : f32 to vector<16xf32>
          %parallel_loop3A_459 = arith.mulf %parallel_loop3A_294, %parallel_loop3A_458 : vector<16xf32>
          %parallel_loop3A_460 = arith.constant 0.000000e+00 : f32
          %parallel_loop3A_461 = vector.broadcast %parallel_loop3A_460 : f32 to vector<16xf32>
          %parallel_loop3A_462 = arith.maximumf %parallel_loop3A_459, %parallel_loop3A_461 : vector<16xf32>
          %parallel_loop3A_463 = arith.constant 0.333333343 : f32
          %parallel_loop3A_464 = vector.broadcast %parallel_loop3A_463 : f32 to vector<16xf32>
          %parallel_loop3A_465 = arith.mulf %parallel_loop3A_330, %parallel_loop3A_464 : vector<16xf32>
          %parallel_loop3A_466 = arith.constant 0.000000e+00 : f32
          %parallel_loop3A_467 = vector.broadcast %parallel_loop3A_466 : f32 to vector<16xf32>
          %parallel_loop3A_468 = arith.maximumf %parallel_loop3A_465, %parallel_loop3A_467 : vector<16xf32>
          %parallel_loop3A_469 = arith.constant 0.333333343 : f32
          %parallel_loop3A_470 = vector.broadcast %parallel_loop3A_469 : f32 to vector<16xf32>
          %parallel_loop3A_471 = arith.mulf %parallel_loop3A_366, %parallel_loop3A_470 : vector<16xf32>
          %parallel_loop3A_472 = arith.constant 0.000000e+00 : f32
          %parallel_loop3A_473 = vector.broadcast %parallel_loop3A_472 : f32 to vector<16xf32>
          %parallel_loop3A_474 = arith.maximumf %parallel_loop3A_471, %parallel_loop3A_473 : vector<16xf32>
          %parallel_loop3A_475 = arith.constant 0.333333343 : f32
          %parallel_loop3A_476 = vector.broadcast %parallel_loop3A_475 : f32 to vector<16xf32>
          %parallel_loop3A_477 = arith.mulf %parallel_loop3A_402, %parallel_loop3A_476 : vector<16xf32>
          %parallel_loop3A_478 = arith.constant 0.000000e+00 : f32
          %parallel_loop3A_479 = vector.broadcast %parallel_loop3A_478 : f32 to vector<16xf32>
          %parallel_loop3A_480 = arith.maximumf %parallel_loop3A_477, %parallel_loop3A_479 : vector<16xf32>
          %parallel_loop3A_481 = arith.index_cast %parallel_loop3A_144 : i32 to index
          %parallel_loop3A_482 = arith.constant 0 : index
          %parallel_loop3A_483 = tpu.vector_load %arg13[%parallel_loop3A_481, %parallel_loop3A_482] {strides = array<i32>} : memref<40x128xf32, #tpu.memory_space<vmem>>, vector<1x16xf32>,
          %parallel_loop3A_484 = vector.shape_cast %parallel_loop3A_483 : vector<1x16xf32> to vector<16xf32>
          %parallel_loop3A_485 = vector.shape_cast %parallel_loop3A_438 : vector<16xf32> to vector<1x16xf32>
          tpu.vector_store %arg13[%parallel_loop3A_481, %parallel_loop3A_482], %parallel_loop3A_485 {strides = array<i32>} : memref<40x128xf32, #tpu.memory_space<vmem>>, vector<1x16xf32>,
          %parallel_loop3A_486 = arith.index_cast %parallel_loop3A_144 : i32 to index
          %parallel_loop3A_487 = arith.constant 16 : index
          %parallel_loop3A_488 = tpu.vector_load %arg13[%parallel_loop3A_486, %parallel_loop3A_487] {strides = array<i32>} : memref<40x128xf32, #tpu.memory_space<vmem>>, vector<1x16xf32>,
          %parallel_loop3A_489 = vector.shape_cast %parallel_loop3A_488 : vector<1x16xf32> to vector<16xf32>
          %parallel_loop3A_490 = vector.shape_cast %parallel_loop3A_444 : vector<16xf32> to vector<1x16xf32>
          tpu.vector_store %arg13[%parallel_loop3A_486, %parallel_loop3A_487], %parallel_loop3A_490 {strides = array<i32>} : memref<40x128xf32, #tpu.memory_space<vmem>>, vector<1x16xf32>,
          %parallel_loop3A_491 = arith.index_cast %parallel_loop3A_144 : i32 to index
          %parallel_loop3A_492 = arith.constant 32 : index
          %parallel_loop3A_493 = tpu.vector_load %arg13[%parallel_loop3A_491, %parallel_loop3A_492] {strides = array<i32>} : memref<40x128xf32, #tpu.memory_space<vmem>>, vector<1x16xf32>,
          %parallel_loop3A_494 = vector.shape_cast %parallel_loop3A_493 : vector<1x16xf32> to vector<16xf32>
          %parallel_loop3A_495 = vector.shape_cast %parallel_loop3A_450 : vector<16xf32> to vector<1x16xf32>
          tpu.vector_store %arg13[%parallel_loop3A_491, %parallel_loop3A_492], %parallel_loop3A_495 {strides = array<i32>} : memref<40x128xf32, #tpu.memory_space<vmem>>, vector<1x16xf32>,
          %parallel_loop3A_496 = arith.index_cast %parallel_loop3A_144 : i32 to index
          %parallel_loop3A_497 = arith.constant 48 : index
          %parallel_loop3A_498 = tpu.vector_load %arg13[%parallel_loop3A_496, %parallel_loop3A_497] {strides = array<i32>} : memref<40x128xf32, #tpu.memory_space<vmem>>, vector<1x16xf32>,
          %parallel_loop3A_499 = vector.shape_cast %parallel_loop3A_498 : vector<1x16xf32> to vector<16xf32>
          %parallel_loop3A_500 = vector.shape_cast %parallel_loop3A_456 : vector<16xf32> to vector<1x16xf32>
          tpu.vector_store %arg13[%parallel_loop3A_496, %parallel_loop3A_497], %parallel_loop3A_500 {strides = array<i32>} : memref<40x128xf32, #tpu.memory_space<vmem>>, vector<1x16xf32>,
          %parallel_loop3A_501 = arith.index_cast %parallel_loop3A_144 : i32 to index
          %parallel_loop3A_502 = arith.constant 64 : index
          %parallel_loop3A_503 = tpu.vector_load %arg13[%parallel_loop3A_501, %parallel_loop3A_502] {strides = array<i32>} : memref<40x128xf32, #tpu.memory_space<vmem>>, vector<1x16xf32>,
          %parallel_loop3A_504 = vector.shape_cast %parallel_loop3A_503 : vector<1x16xf32> to vector<16xf32>
          %parallel_loop3A_505 = vector.shape_cast %parallel_loop3A_462 : vector<16xf32> to vector<1x16xf32>
          tpu.vector_store %arg13[%parallel_loop3A_501, %parallel_loop3A_502], %parallel_loop3A_505 {strides = array<i32>} : memref<40x128xf32, #tpu.memory_space<vmem>>, vector<1x16xf32>,
          %parallel_loop3A_506 = arith.index_cast %parallel_loop3A_144 : i32 to index
          %parallel_loop3A_507 = arith.constant 80 : index
          %parallel_loop3A_508 = tpu.vector_load %arg13[%parallel_loop3A_506, %parallel_loop3A_507] {strides = array<i32>} : memref<40x128xf32, #tpu.memory_space<vmem>>, vector<1x16xf32>,
          %parallel_loop3A_509 = vector.shape_cast %parallel_loop3A_508 : vector<1x16xf32> to vector<16xf32>
          %parallel_loop3A_510 = vector.shape_cast %parallel_loop3A_468 : vector<16xf32> to vector<1x16xf32>
          tpu.vector_store %arg13[%parallel_loop3A_506, %parallel_loop3A_507], %parallel_loop3A_510 {strides = array<i32>} : memref<40x128xf32, #tpu.memory_space<vmem>>, vector<1x16xf32>,
          %parallel_loop3A_511 = arith.index_cast %parallel_loop3A_144 : i32 to index
          %parallel_loop3A_512 = arith.constant 96 : index
          %parallel_loop3A_513 = tpu.vector_load %arg13[%parallel_loop3A_511, %parallel_loop3A_512] {strides = array<i32>} : memref<40x128xf32, #tpu.memory_space<vmem>>, vector<1x16xf32>,
          %parallel_loop3A_514 = vector.shape_cast %parallel_loop3A_513 : vector<1x16xf32> to vector<16xf32>
          %parallel_loop3A_515 = vector.shape_cast %parallel_loop3A_474 : vector<16xf32> to vector<1x16xf32>
          tpu.vector_store %arg13[%parallel_loop3A_511, %parallel_loop3A_512], %parallel_loop3A_515 {strides = array<i32>} : memref<40x128xf32, #tpu.memory_space<vmem>>, vector<1x16xf32>,
          %parallel_loop3A_516 = arith.index_cast %parallel_loop3A_144 : i32 to index
          %parallel_loop3A_517 = arith.constant 112 : index
          %parallel_loop3A_518 = tpu.vector_load %arg13[%parallel_loop3A_516, %parallel_loop3A_517] {strides = array<i32>} : memref<40x128xf32, #tpu.memory_space<vmem>>, vector<1x16xf32>,
          %parallel_loop3A_519 = vector.shape_cast %parallel_loop3A_518 : vector<1x16xf32> to vector<16xf32>
          %parallel_loop3A_520 = vector.shape_cast %parallel_loop3A_480 : vector<16xf32> to vector<1x16xf32>
          tpu.vector_store %arg13[%parallel_loop3A_516, %parallel_loop3A_517], %parallel_loop3A_520 {strides = array<i32>} : memref<40x128xf32, #tpu.memory_space<vmem>>, vector<1x16xf32>,
        } {sc.loop_unroll_factor = 1 : i64, sc.parallel_access}
        %add3A_129 = arith.addi %add3A_4, %add3A_102 : i32
        %mul3A_130 = arith.constant 40 : i32
        %mul3A_131 = arith.muli %add3A_129, %mul3A_130 : i32
        %min3A_132 = arith.constant 99960 : i32
        %min3A_133 = arith.minsi %mul3A_131, %min3A_132 : i32
        %dma_start3A_134 = arith.constant 0 : i32
        %dma_start3A_135 = tpu.memref_slice %arg4[%min3A_133, %dma_start3A_134] : memref<100000x128xf32, #tpu.memory_space<hbm>> -> memref<40x128xf32, #tpu.memory_space<hbm>>
        %dma_start3A_136 = arith.constant 0 : i32
        %dma_start3A_137 = tpu.memref_slice %arg4[%min3A_133, %dma_start3A_136] : memref<100000x128xf32, #tpu.memory_space<hbm>> -> memref<40x128xf32, #tpu.memory_space<hbm>>
        tpu.enqueue_dma source(%arg13 : memref<40x128xf32, #tpu.memory_space<vmem>>) target(%dma_start3A_137 : memref<40x128xf32, #tpu.memory_space<hbm>>) target_semaphore(%arg19 : memref<!tpu.dma_semaphore, #tpu.memory_space<semaphore_mem>>)
        %add3A_138 = arith.constant 3 : i32
        %add3A_139 = arith.addi %add3A_102, %add3A_138 : i32
        %lt3A_140 = arith.cmpi slt, %add3A_139, %add3A_8 : i32
        %convert_element_type3A_141 = arith.extui %lt3A_140 : i1 to i32
        %cond3A_142 = arith.constant 0 : i32
        %cond3A_143 = arith.cmpi ne, %convert_element_type3A_141, %cond3A_142 : i32
        scf.if %cond3A_143 {
          %add3A_144 = arith.constant 3 : i32
          %add3A_145 = arith.addi %add3A_102, %add3A_144 : i32
          %add3A_146 = arith.addi %add3A_4, %add3A_145 : i32
          %mul3A_147 = arith.constant 40 : i32
          %mul3A_148 = arith.muli %add3A_146, %mul3A_147 : i32
          %min3A_149 = arith.constant 99960 : i32
          %min3A_150 = arith.minsi %mul3A_148, %min3A_149 : i32
          %dma_start3A_151 = arith.constant 0 : i32
          %dma_start3A_152 = arith.constant 0 : i32
          %dma_start3A_153 = tpu.memref_slice %arg2[%dma_start3A_151, %min3A_150, %dma_start3A_152] : memref<3x100000x128xf32, #tpu.memory_space<hbm>> -> memref<3x40x128xf32, #tpu.memory_space<hbm>>
          %dma_start3A_154 = arith.constant 0 : i32
          %dma_start3A_155 = arith.constant 0 : i32
          %dma_start3A_156 = tpu.memref_slice %arg2[%dma_start3A_154, %min3A_150, %dma_start3A_155] : memref<3x100000x128xf32, #tpu.memory_space<hbm>> -> memref<3x40x128xf32, #tpu.memory_space<hbm>>
          tpu.enqueue_dma source(%dma_start3A_156 : memref<3x40x128xf32, #tpu.memory_space<hbm>>) target(%arg7 : memref<3x40x128xf32, #tpu.memory_space<vmem>>) target_semaphore(%arg16 : memref<!tpu.dma_semaphore, #tpu.memory_space<semaphore_mem>>)
          %dma_start3A_157 = arith.constant 0 : i32
          %dma_start3A_158 = arith.constant 0 : i32
          %dma_start3A_159 = tpu.memref_slice %arg3[%dma_start3A_157, %min3A_150, %dma_start3A_158] : memref<3x100000x128xf32, #tpu.memory_space<hbm>> -> memref<3x40x128xf32, #tpu.memory_space<hbm>>
          %dma_start3A_160 = arith.constant 0 : i32
          %dma_start3A_161 = arith.constant 0 : i32
          %dma_start3A_162 = tpu.memref_slice %arg3[%dma_start3A_160, %min3A_150, %dma_start3A_161] : memref<3x100000x128xf32, #tpu.memory_space<hbm>> -> memref<3x40x128xf32, #tpu.memory_space<hbm>>
          tpu.enqueue_dma source(%dma_start3A_162 : memref<3x40x128xf32, #tpu.memory_space<hbm>>) target(%arg10 : memref<3x40x128xf32, #tpu.memory_space<vmem>>) target_semaphore(%arg16 : memref<!tpu.dma_semaphore, #tpu.memory_space<semaphore_mem>>)
        } else {
        }
      } else {
      }
    }
    %scan3A_66 = arith.constant 27 : i32
    %dma_wait3A = arith.constant 0 : i32
    %dma_wait3A_67 = arith.constant 0 : i32
    %dma_wait3A_68 = tpu.memref_slice %arg4[%dma_wait3A, %dma_wait3A_67] : memref<100000x128xf32, #tpu.memory_space<hbm>> -> memref<40x128xf32, #tpu.memory_space<hbm>>
    %dma_wait3A_69 = arith.constant 0 : i32
    %dma_wait3A_70 = arith.constant 0 : i32
    %dma_wait3A_71 = tpu.memref_slice %arg4[%dma_wait3A_69, %dma_wait3A_70] : memref<100000x128xf32, #tpu.memory_space<hbm>> -> memref<40x128xf32, #tpu.memory_space<hbm>>
    tpu.wait_dma2 semaphore(%arg17 : memref<!tpu.dma_semaphore, #tpu.memory_space<semaphore_mem>>) src(%arg11 : memref<40x128xf32, #tpu.memory_space<vmem>>) dst(%dma_wait3A_71 : memref<40x128xf32, #tpu.memory_space<hbm>>)
    %dma_wait3A_72 = arith.constant 0 : i32
    %dma_wait3A_73 = arith.constant 0 : i32
    %dma_wait3A_74 = tpu.memref_slice %arg4[%dma_wait3A_72, %dma_wait3A_73] : memref<100000x128xf32, #tpu.memory_space<hbm>> -> memref<40x128xf32, #tpu.memory_space<hbm>>
    %dma_wait3A_75 = arith.constant 0 : i32
    %dma_wait3A_76 = arith.constant 0 : i32
    %dma_wait3A_77 = tpu.memref_slice %arg4[%dma_wait3A_75, %dma_wait3A_76] : memref<100000x128xf32, #tpu.memory_space<hbm>> -> memref<40x128xf32, #tpu.memory_space<hbm>>
    tpu.wait_dma2 semaphore(%arg18 : memref<!tpu.dma_semaphore, #tpu.memory_space<semaphore_mem>>) src(%arg12 : memref<40x128xf32, #tpu.memory_space<vmem>>) dst(%dma_wait3A_77 : memref<40x128xf32, #tpu.memory_space<hbm>>)
    %dma_wait3A_78 = arith.constant 0 : i32
    %dma_wait3A_79 = arith.constant 0 : i32
    %dma_wait3A_80 = tpu.memref_slice %arg4[%dma_wait3A_78, %dma_wait3A_79] : memref<100000x128xf32, #tpu.memory_space<hbm>> -> memref<40x128xf32, #tpu.memory_space<hbm>>
    %dma_wait3A_81 = arith.constant 0 : i32
    %dma_wait3A_82 = arith.constant 0 : i32
    %dma_wait3A_83 = tpu.memref_slice %arg4[%dma_wait3A_81, %dma_wait3A_82] : memref<100000x128xf32, #tpu.memory_space<hbm>> -> memref<40x128xf32, #tpu.memory_space<hbm>>
    tpu.wait_dma2 semaphore(%arg19 : memref<!tpu.dma_semaphore, #tpu.memory_space<semaphore_mem>>) src(%arg13 : memref<40x128xf32, #tpu.memory_space<vmem>>) dst(%dma_wait3A_83 : memref<40x128xf32, #tpu.memory_space<hbm>>)
    return
  }
}

</mosaic_0001>

<sc_bundles>
// kernel: kernel.3.cloned.1.call-start
scs
__scs_entry_jumppad:
0x0: {  	(pc) =	sbr.rel $0x88, $3  }
0x1: {  	(tag) =	ssettag $0x0;
	lr =	simm.s32 $0x1  }
0x2: {  	[smem:$0x3F9F] =	sst lr;
	_ =	strace $0xD0000000  }
0x3: {  	_ = 	snop  }
0x4: {  	_ = 	snop  }
0x5: {  	_ = 	snop  }
0x6: {  	_ = 	snop  }
0x7: {  	_ = 	snop  }
__scs_overlays_trampoline_lowered:
0x8: {  	[smem:$0x3FAE] =	sst s0  }
0x9: {  	[smem:$0x3FAF] =	sst s1  }
0xa: {  	[smem:$0x3FB0] =	sst s2  }
0xb: {  	[smem:$0x3FB1] =	sst s3  }
0xc: {  	[smem:$0x3FB2] =	sst s4  }
0xd: {  	[smem:$0x3FB3] =	sst s5  }
0xe: {  	[smem:$0x3FB4] =	sst s6  }
0xf: {  	[smem:$0x3FB5] =	sst s7  }
0x10: {  	[smem:$0x3FB6] =	sst s8  }
0x11: {  	[smem:$0x3FB7] =	sst s9;
	s0 =	simm.s32 @!p0 $0x0  }
0x12: {  	s1 =	sld [smem:$0x3F9D];
	s0 =	simm.s32 @p0 $0x1  }
0x13: {  	[smem:$0x3FB8] =	sst s0;
	s0 =	simm.s32 @!p1 $0x0  }
0x14: {  	s2 =	sld [smem:$0x3F9C];
	s0 =	simm.s32 @p1 $0x1  }
0x15: {  	[smem:$0x3FB9] =	sst s0;
	s0 =	simm.s32 @!p2 $0x0  }
0x16: {  	s3 =	sld [smem:$0x3FDB];
	s0 =	simm.s32 @p2 $0x1  }
0x17: {  	s4 =	simm.s32 $0x1BF5;
	[smem:$0x3FBB] =	sst s0  }
0x18: {  	s0 =	sld [smem:$0x3F9E];
	_ =	swait.ge [sflag:s4], $0x0  }
0x19: {  	s7 =	sld [smem:$0x3F9F]  }
0x1a: {  	s8 =	sadd.s32 $0xFFFFE003, lr  }
0x1b: {  	s9 =	sadd.s32 $0xFFFFFEF7, lr;
	s5 =	simm.s32 $0xFFFFFFFF;
	p2 =	slt.u32 s8, $0xFFFFF086  }
0x1c: {  	p1 =	slt.u32 s9, $0xF7A;
	s5 =	simm.s32 @!p2 $0x0  }
0x1d: {  	s5 =	simm.s32 @p1 $0x1;
	p0 =	seq.s32 s7, s2  }
0x1e: {  	s7 =	smul.u32 @!p0 $0xF7A, s2;
	p2 =	seq.s32 @!p0 s5, $0x0  }
0x1f: {  	s9 =	smul.u32 $0xF7A, s1;
	s8 =	simm.s32 @!p0 $0x1BF5;
	p2 =	por !p2, p0  }
0x20: {  	[sflag:s8] =	ssyncset.s32 @!p0 $0xFFFFF086;
	s6 =	sadd.s32 @!p0 s3, s7;
	s7 =	simm.s32 @!p0 $0x108  }
0x21: {  	s3 =	sadd.s32 s3, s9;
	s6 =	sadd.s32 @!p0 $0x88, s6;
	s7 =	simm.s32 @p2 $0x1082  }
0x22: {  	[simem:s7], [sflag:s8] =	dma.local @!p0 [hbm:s6], $0xF7A  }
0x23: {  	s9 =	sor.u32 $0xD0000000, s2;
	s6 =	simm.s32 $0x108;
	_ =	swait.ge @!p0 [sflag:s8], $0x0  }
0x24: {  	s3 =	sadd.s32 $0x88, s3;
	s6 =	simm.s32 @!p1 $0x1082;
	[sflag:s4] =	ssyncset.s32 $0xFFFFF086  }
0x25: {  	[simem:s6], [sflag:s4] =	dma.local [hbm:s3], $0xF7A  }
0x26: {  	[smem:$0x3F9F] =	sst s1;
	(tag) =	ssettag s2;
	_ =	strace s9  }
0x27: {  	s1 =	sld [smem:$0x3FAF]  }
0x28: {  	s2 =	sld [smem:$0x3FB0]  }
0x29: {  	s4 =	sld [smem:$0x3FB2]  }
0x2a: {  	p0 =	seq.s32 s5, $0x0;
	s5 =	sld [smem:$0x3FB3]  }
0x2b: {  	s6 =	sld [smem:$0x3FB4]  }
0x2c: {  	s7 =	sld [smem:$0x3FB5]  }
0x2d: {  	s3 =	simm.s32 $0x108;
	s8 =	sld [smem:$0x3FB6]  }
0x2e: {  	s3 =	simm.s32 @!p0 $0x1082;
	s9 =	sld [smem:$0x3FB7]  }
0x2f: {  	lr =	sadd.s32 s0, s3;
	s0 =	sld [smem:$0x3FAE]  }
0x30: {  	s3 =	sld [smem:$0x3FB1]  }
0x31: {  	[smem:$0x3FBA] =	sst s10  }
0x32: {  	s10 =	sld [smem:$0x3FB8];
	_ =	sdelay $0x3  }
0x33: {  	p0 =	seq.s32 s10, $0x1;
	s10 =	sld [smem:$0x3FBA];
	_ =	sdelay $0x3  }
0x34: {  	[smem:$0x3FBA] =	sst s10  }
0x35: {  	s10 =	sld [smem:$0x3FB9];
	_ =	sdelay $0x3  }
0x36: {  	p1 =	seq.s32 s10, $0x1;
	s10 =	sld [smem:$0x3FBA];
	_ =	sdelay $0x3  }
0x37: {  	[smem:$0x3FBA] =	sst s10  }
0x38: {  	s10 =	sld [smem:$0x3FBB]  }
0x39: {  	_ = 	snop;
	(pc) =	sbr.ind lr, $3  }
0x3a: {  	_ = 	snop  }
0x3b: {  	_ = 	snop  }
0x3c: {  	p2 =	seq.s32 s10, $0x1;
	s10 =	sld [smem:$0x3FBA]  }
0x3d: {  	_ =	shalt  }
0x3e: {  	_ =	shalt  }
0x3f: {  	_ =	shalt  }
0x40: {  	_ =	shalt  }
0x41: {  	_ =	shalt  }
0x42: {  	_ =	shalt  }
0x43: {  	_ =	shalt  }
0x44: {  	_ =	shalt  }
0x45: {  	_ =	shalt  }
0x46: {  	_ =	shalt  }
0x47: {  	_ =	shalt  }
0x48: {  	_ =	shalt  }
0x49: {  	_ =	shalt  }
0x4a: {  	_ =	shalt  }
0x4b: {  	_ =	shalt  }
0x4c: {  	_ =	shalt  }
0x4d: {  	_ =	shalt  }
0x4e: {  	_ =	shalt  }
0x4f: {  	_ =	shalt  }
0x50: {  	_ =	shalt  }
0x51: {  	_ =	shalt  }
0x52: {  	_ =	shalt  }
0x53: {  	_ =	shalt  }
0x54: {  	_ =	shalt  }
0x55: {  	_ =	shalt  }
0x56: {  	_ =	shalt  }
0x57: {  	_ =	shalt  }
0x58: {  	_ =	shalt  }
0x59: {  	_ =	shalt  }
0x5a: {  	_ =	shalt  }
0x5b: {  	_ =	shalt  }
0x5c: {  	_ =	shalt  }
0x5d: {  	_ =	shalt  }
0x5e: {  	_ =	shalt  }
0x5f: {  	_ =	shalt  }
0x60: {  	_ =	shalt  }
0x61: {  	_ =	shalt  }
0x62: {  	_ =	shalt  }
0x63: {  	_ =	shalt  }
0x64: {  	_ =	shalt  }
0x65: {  	_ =	shalt  }
0x66: {  	_ =	shalt  }
0x67: {  	_ =	shalt  }
0x68: {  	_ =	shalt  }
0x69: {  	_ =	shalt  }
0x6a: {  	_ =	shalt  }
0x6b: {  	_ =	shalt  }
0x6c: {  	_ =	shalt  }
0x6d: {  	_ =	shalt  }
0x6e: {  	_ =	shalt  }
0x6f: {  	_ =	shalt  }
0x70: {  	_ =	shalt  }
0x71: {  	_ =	shalt  }
0x72: {  	_ =	shalt  }
0x73: {  	_ =	shalt  }
0x74: {  	_ =	shalt  }
0x75: {  	_ =	shalt  }
0x76: {  	_ =	shalt  }
0x77: {  	_ =	shalt  }
0x78: {  	_ =	shalt  }
0x79: {  	_ =	shalt  }
0x7a: {  	_ =	shalt  }
0x7b: {  	_ =	shalt  }
0x7c: {  	_ =	shalt  }
0x7d: {  	_ =	shalt  }
0x7e: {  	_ =	shalt  }
0x7f: {  	_ =	shalt  }
0x80: {  	_ =	shalt  }
0x81: {  	_ =	shalt  }
0x82: {  	_ =	shalt  }
0x83: {  	_ =	shalt  }
0x84: {  	_ =	shalt  }
0x85: {  	_ =	shalt  }
0x86: {  	_ =	shalt  }
0x87: {  	_ =	shalt  }
.Lfunc_end0:
.L_simem_size_0:
called_computation_lowered:
.L_overlay_start_0:
0x88: {  	s2 =	sld [smem:$0x3FD9]  }
0x89: {  	s3 =	sld [smem:$0x3FFE];
	_ =	sdelay $0x1  }
0x8a: {  	s1 =	srdreg.scid  }
0x8b: {  	s0 =	sand.u32 $0x1, s1  }
0x8c: {  	s18 =	sshll.u32 s0, $0xA;
	s2 =	sadd.s32 s3, s2  }
0x8d: {  	s2 =	sadd.s32 s2, s18  }
0x8e: {  	[smem:$0x3FC6] =	sst s2  }
0x8f: {  	_ = 	snop  }
0x90: {  	s2 =	sld [smem:$0x3FC9]  }
0x91: {  	s19 =	sld [smem:$0x3FC8]  }
0x92: {  	s4 =	sld [smem:$0x3FD0];
	(tm) =	ssettm $0x1  }
0x93: {  	s5 =	sld [smem:$0x3FFB];
	_ =	sdelay $0x3  }
0x94: {  	_ =	strace s5  }
0x95: {  	s5 =	sld [smem:$0x3FFC];
	_ =	sdelay $0x3  }
0x96: {  	_ =	strace s5  }
0x97: {  	s5 =	sld [smem:$0x3FFD];
	_ =	sdelay $0x3  }
0x98: {  	_ =	strace s5  }
0x99: {  	_ =	strace $0x8FFFFFFF  }
0x9a: {  	s20 =	sld [smem:$0x3FDB];
	_ =	sdelay $0x1  }
0x9b: {  	s6 =	simm.s32 $_scs_section_size  }
0x9c: {  	s7 =	simm.s32 $_size__tile_overlayer_lowered;
	s8 =	simm.s32 $_tile_overlayer_lowered  }
0x9d: {  	s23 =	simm.s32 $0x1BFF;
	s22 =	sshll.u32 s8, $0x1;
	s5 =	sadd.s32 s6, s20  }
0x9e: {  	s9 =	simm.s32 $0x0;
	s21 =	sshll.u32 s7, $0x1;
	s7 =	sadd.s32 s22, s5  }
0x9f: {  	[timem:s9], [sflag:s23] =	dma.local [hbm:s7], s21  }
0xa0: {  	_ =	swait.ge [sflag:s23], s21  }
0xa1: {  	s6 =	ssub.s32 $0x0, s21;
	[sflag:s23] =	ssyncset.done $0x0  }
0xa2: {  	[sflag:s23] =	ssyncadd.s32 s6;
	_ =	sdelay $0x1  }
0xa3: {  	s24 =	simm.s32 $0x1B8B  }
0xa4: {  	_ =	swait.ge [sflag:s24], $0x1  }
0xa5: {  	[sflag:s24] =	ssyncset.done $0x0  }
0xa6: {  	s25 =	simm.s32 $0x1B8E;
	[sflag:s24] =	ssyncadd.s32 $0xFFFFFFFF  }
0xa7: {  	s26 =	simm.s32 $execute0_lowered;
	[smem:$0x3FD2] =	sst s25  }
0xa8: {  	s6 =	sshll.u32 s26, $0x1;
	_ =	strace $0x80000046;
	[dreg:$0x1] =	wrdreg $0xFFFFFFFF  }
0xa9: {  	s28 =	simm.s32 $_size_execute0_lowered;
	s5 =	sadd.s32 s5, s6;
	[dreg:$0x0] =	wrdreg $0x0  }
0xaa: {  	s6 =	sshll.u32 s28, $0x1;
	[dreg:$0x2] =	wrdreg s5  }
0xab: {  	[dreg:$0x3] =	wrdreg s6  }
0xac: {  	[dreg:$0x4] =	wrdreg $0xC0  }
0xad: {  	_ =	task [dreg:s9], $0x5FFFF  }
0xae: {  	[dreg:$0x1] =	wrdreg $0xFFFFFFFF  }
0xaf: {  	[dreg:$0x0] =	wrdreg $0x60  }
0xb0: {  	[dreg:$0x2] =	wrdreg s2  }
0xb1: {  	[dreg:$0x3] =	wrdreg s19  }
0xb2: {  	[dreg:$0x4] =	wrdreg s4  }
0xb3: {  	[dreg:$0x5] =	wrdreg $0x9  }
0xb4: {  	_ =	task.clear_ibuf [dreg:s9], $0x6FFFF;
	_ =	strace $0x90000046  }
0xb5: {  	s29 =	simm.s32 $0x9;
	_ =	strace $0x80000048  }
0xb6: {  	_ =	swait.ge [sflag:s29], $0x1  }
0xb7: {  	[sflag:s29] =	ssyncadd.s32 $0xFFFFFFFF  }
0xb8: {  	_ =	strace $0x90000048  }
0xb9: {  	_ =	sfence  }
0xba: {  	s30 =	sld [smem:$0x0];
	_ =	sdelay $0x2  }
0xbb: {  	s31 =	sshll.u32 s1, $0xD;
	s1 =	sshrl.u32 s1, $0x2  }
0xbc: {  	s3 =	sand.u32 $0x4000, s31;
	s1 =	sadd.s32 s1, s30  }
0xbd: {  	s0 =	sor.u32 s3, s0;
	s1 =	sshll.u32 s1, $0x11  }
0xbe: {  	s0 =	sor.u32 s1, s0  }
0xbf: {  	s0 =	sadd.s32 $0x8F2B, s0  }
0xc0: {  	[sflag:s0] =	ssyncadd.remote.s32 $0x1  }
0xc1: {  	_ =	sfence.sel $0xFFFF  }
0xc2: {  	[dreg:$0x0] =	wrdreg $0xFFFFFFFF;
	(pc) =	sbr.abs _section_cstart, $3  }
0xc3: {  	[dreg:$0x1] =	wrdreg $0xFFFFFFFF  }
0xc4: {  	_ =	task.clear_ibuf [dreg:s9], $0x2FFFF;
	_ =	strace $0x9FFFFFFF  }
0xc5: {  	(tm) =	ssettm $0x7FFFFFFF  }
tec
execute0_lowered:
.L_overlay_start_1:
0x0: {  	(tag) =	ssettag $0x1  }
0x1: {  	s1 =	rddreg [dreg:$0x0]  }
0x2: {  	s0 =	srdreg.scid;
	s3 =	rddreg [dreg:$0x1]  }
0x3: {  	s7 =	stileid.u32;
	s4 =	rddreg [dreg:$0x2]  }
0x4: {  	s5 =	simm.s32 $0x0;
	s15 =	simm.s32 $0x1400;
	s16 =	simm.s32 $0xC35000  }
0x5: {  	s22 =	simm.s32 $0x1;
	s23 =	simm.s32 $0x16800;
	s28 =	simm.s32 $0x19000  }
0x6: {  	s29 =	simm.s32 $0x4;
	s0 =	sand.u32 $0x1, s0;
	s2 =	sshll.u32 s7, $0x1  }
0x7: {  	s30 =	simm.s32 $0x5;
	s31 =	simm.s32 $0x6;
	s2 =	sor.u32 s0, s2  }
0x8: {  	[smem:$0x7FF] =	sst s5;
	p0 =	slt.u32 s7, $0x2;
	s6 =	smul.u32 $0x4E, s2  }
0x9: {  	s7 =	simm.s32 $0x4F;
	s0 =	ssub.s32 $0x2, s0;
	s2 =	smin.u32 s2, $0x4  }
0xa: {  	_ =	strace $0x80000047;
	s24 =	sshrl.u32 s0, $0x1;
	s6 =	sadd.s32 s2, s6  }
0xb: {  	s7 =	simm.s32 @!p0 $0x4E;
	s0 =	ssub.s32 s0, s24;
	s11 =	smul.u32 $0x280, s6  }
.Ltmp0:
0xc: {  	s24 =	simm.s32 $0x2;
	s14 =	smax.u32 s0, $0x1;
	(pc) =	sbr.rel .LBB2_1-.Ltmp0, $4  }
0xd: {  	s2 =	simm.s32 $0x0;
	s25 =	sadd.s32 s1, s11;
	s26 =	sadd.s32 $0x280, s11  }
0xe: {  	s9 =	sadd.s32 s3, s11;
	s13 =	sadd.s32 $0x500, s11;
	[dreg:$0x4] =	wrdreg s25  }
0xf: {  	s10 =	sadd.s32 s1, s26;
	s11 =	sadd.s32 s3, s26;
	s12 =	sadd.s32 s1, s13  }
0x10: {  	s13 =	sadd.s32 s3, s13;
	s25 =	simm.s32 $0x17C00;
	s26 =	simm.s32 $0x3  }
.LBB2_15:
0x11: {  	_ =	swait.ge [sflag:s29], $0x1400  }
0x12: {  	[sflag:s29] =	ssyncset.done $0x0  }
0x13: {  	s2 =	sadd.s32 $0x1, s2;
	[sflag:s29] =	ssyncadd.s32 $0xFFFFEC00  }
0x14: {  	p0 =	sne.s32 s2, s14;
	_ =	swait.ge [sflag:s30], $0x1400  }
.Ltmp1:
0x15: {  	[sflag:s30] =	ssyncset.done $0x0;
	(pc) =	sbr.rel @!p0 .LBB2_16-.Ltmp1, $4  }
0x16: {  	[sflag:s30] =	ssyncadd.s32 $0xFFFFEC00  }
0x17: {  	_ =	swait.ge [sflag:s31], $0x1400  }
0x18: {  	[sflag:s31] =	ssyncset.done $0x0  }
0x19: {  	[sflag:s31] =	ssyncadd.s32 $0xFFFFEC00  }
.LBB2_1:
0x1a: {  	s0 =	rddreg [dreg:$0x4]  }
0x1b: {  	[tilespmem:s5], [sflag:$0x1] =	stream.strided.gather [hbm4b:s0+s15], $0x3C00, s16, s15, $0x38;
	[tilespmem:$0x1A400] =	vst v63  }
0x1c: {  	s17 =	simm.s32 $0xB400  }
0x1d: {  	[tilespmem:s17], [sflag:$0x1] =	stream.strided.gather [hbm4b:s9+s15], $0x3C00, s16, s15, $0x38;
	[tilespmem:$0x1A400] =	vst v63  }
0x1e: {  	s18 =	simm.s32 $0x3C00  }
0x1f: {  	[tilespmem:s18], [sflag:$0x2] =	stream.strided.gather [hbm4b:s10+s15], $0x3C00, s16, s15, $0x38;
	[tilespmem:$0x1A400] =	vst v63  }
0x20: {  	s19 =	simm.s32 $0xF000  }
0x21: {  	[tilespmem:s19], [sflag:$0x2] =	stream.strided.gather [hbm4b:s11+s15], $0x3C00, s16, s15, $0x38;
	[tilespmem:$0x1A400] =	vst v63  }
.Ltmp2:
0x22: {  	_ = 	snop;
	(pc) =	sbr.rel .LBB2_2-.Ltmp2, $4  }
0x23: {  	s20 =	simm.s32 $0x7800  }
0x24: {  	[tilespmem:s20], [sflag:$0x3] =	stream.strided.gather [hbm4b:s12+s15], $0x3C00, s16, s15, $0x38;
	[tilespmem:$0x1A400] =	vst v63  }
0x25: {  	s21 =	simm.s32 $0x12C00;
	s0 =	simm.s32 $0x0  }
0x26: {  	[tilespmem:s21], [sflag:$0x3] =	stream.strided.gather [hbm4b:s13+s15], $0x3C00, s16, s15, $0x38;
	[tilespmem:$0x1A400] =	vst v63  }
.LBB2_14:
0x27: {  	s0 =	sadd.s32 $0x1, s0  }
0x28: {  	p0 =	sne.s32 s0, $0x1B  }
.Ltmp3:
0x29: {  	_ = 	snop;
	(pc) =	sbr.rel @!p0 .LBB2_15-.Ltmp3, $1  }
0x2a: {  	_ =	sdelay $0x3  }
.LBB2_2:
0x2b: {  	s17 =	smul.u32 $0x3, s0;
	_ =	sdelay $0x1  }
0x2c: {  	p0 =	sge.u32 s17, s7  }
.Ltmp4:
0x2d: {  	_ = 	snop;
	(pc) =	sbr.rel @p0 .LBB2_6-.Ltmp4, $1  }
0x2e: {  	_ =	sdelay $0x3  }
0x2f: {  	_ =	swait.ge [sflag:s22], $0x3C00  }
0x30: {  	[sflag:s22] =	ssyncset.done $0x0  }
0x31: {  	[sflag:s22] =	ssyncadd.s32 $0xFFFFC400  }
0x32: {  	_ =	swait.ge [sflag:s22], $0x3C00  }
0x33: {  	p0 =	seq.s32 s0, $0x0;
	[sflag:s22] =	ssyncset.done $0x0  }
0x34: {  	s18 =	simm.s32 @!p0 $0x4;
	[sflag:s22] =	ssyncadd.s32 $0xFFFFC400  }
0x35: {  	_ =	swait.ge @!p0 [sflag:s18], $0x1400  }
0x36: {  	[sflag:s18] =	ssyncset.done @!p0 $0x0  }
0x37: {  	s19 =	simm.s32 $0x0;
	[sflag:s18] =	ssyncadd.s32 @!p0 $0xFFFFEC00  }
0x38: {  	v0 =	vld [tilespmem:s19+$0x70]  }
0x39: {  	v1 =	vld [tilespmem:s19+$0x0]  }
0x3a: {  	v6 =	vld [tilespmem:s19+$0x10]  }
0x3b: {  	v4 =	vld [tilespmem:s19+$0x20]  }
0x3c: {  	v3 =	vld [tilespmem:s19+$0x30]  }
0x3d: {  	v2 =	vld [tilespmem:s19+$0x40];
	v7 =	vmul.f32 $3.333333430e-01, v0  }
0x3e: {  	v0 =	vld [tilespmem:s19+$0x50];
	v5 =	vmul.f32 $3.333333430e-01, v1  }
0x3f: {  	s20 =	simm.s32 $0x400;
	s18 =	simm.s32 $0x80;
	v1 =	vld [tilespmem:s19+$0x60];
	v6 =	vmul.f32 $3.333333430e-01, v6;
	v7 =	vmax.f32 v7, $0.0e+00  }
.LBB2_4:
0x40: {  	p0 =	sne.s32 s20, $0x4E00;
	v8 =	vld [tilespmem:s18+$0x70];
	v5 =	vmax.f32 v5, $0.0e+00;
	v4 =	vmul.f32 $3.333333430e-01, v4;
	[tilespmem:s19+$0x16870] =	vst v7  }
0x41: {  	v7 =	vld [tilespmem:s18+$0x0];
	v6 =	vmax.f32 v6, $0.0e+00;
	v3 =	vmul.f32 $3.333333430e-01, v3;
	[tilespmem:s19+$0x16800] =	vst v5  }
0x42: {  	v9 =	vld [tilespmem:s18+$0x10];
	v5 =	vmax.f32 v4, $0.0e+00;
	v2 =	vmul.f32 $3.333333430e-01, v2;
	[tilespmem:s19+$0x16810] =	vst v6  }
.Ltmp5:
0x43: {  	v4 =	vld [tilespmem:s18+$0x20];
	v6 =	vmax.f32 v3, $0.0e+00;
	v0 =	vmul.f32 $3.333333430e-01, v0;
	[tilespmem:s19+$0x16820] =	vst v5;
	(pc) =	sbr.rel @p0 .LBB2_4-.Ltmp5, $4  }
0x44: {  	v3 =	vld [tilespmem:s18+$0x30];
	v5 =	vmax.f32 v2, $0.0e+00;
	v1 =	vmul.f32 $3.333333430e-01, v1;
	[tilespmem:s19+$0x16830] =	vst v6  }
0x45: {  	v2 =	vld [tilespmem:s18+$0x40];
	v8 =	vmul.f32 $3.333333430e-01, v8;
	v6 =	vmax.f32 v0, $0.0e+00;
	[tilespmem:s19+$0x16840] =	vst v5  }
0x46: {  	v0 =	vld [tilespmem:s18+$0x50];
	v5 =	vmul.f32 $3.333333430e-01, v7;
	v10 =	vmax.f32 v1, $0.0e+00;
	[tilespmem:s19+$0x16850] =	vst v6  }
0x47: {  	v1 =	vld [tilespmem:s18+$0x60];
	v6 =	vmul.f32 $3.333333430e-01, v9;
	v7 =	vmax.f32 v8, $0.0e+00;
	[tilespmem:s19+$0x16860] =	vst v10;
	s19 =	smov.u32 s18;
	s18 =	sshra.s32 s20, $0x2;
	s20 =	sadd.s32 $0x200, s20  }
0x48: {  	v8 =	vld [tilespmem:s18+$0x70];
	v5 =	vmax.f32 v5, $0.0e+00;
	v4 =	vmul.f32 $3.333333430e-01, v4;
	[tilespmem:s19+$0x16870] =	vst v7  }
0x49: {  	v54 =	vld [tilespmem:s18+$0x0];
	v6 =	vmax.f32 v6, $0.0e+00;
	v3 =	vmul.f32 $3.333333430e-01, v3;
	[tilespmem:s19+$0x16800] =	vst v5  }
0x4a: {  	v55 =	vld [tilespmem:s18+$0x10];
	v4 =	vmax.f32 v4, $0.0e+00;
	v2 =	vmul.f32 $3.333333430e-01, v2;
	[tilespmem:s19+$0x16810] =	vst v6  }
0x4b: {  	v56 =	vld [tilespmem:s18+$0x20];
	v3 =	vmax.f32 v3, $0.0e+00;
	v0 =	vmul.f32 $3.333333430e-01, v0;
	[tilespmem:s19+$0x16820] =	vst v4  }
0x4c: {  	v57 =	vld [tilespmem:s18+$0x30];
	v2 =	vmax.f32 v2, $0.0e+00;
	v1 =	vmul.f32 $3.333333430e-01, v1;
	[tilespmem:s19+$0x16830] =	vst v3  }
0x4d: {  	v58 =	vld [tilespmem:s18+$0x40];
	v8 =	vmul.f32 $3.333333430e-01, v8;
	v0 =	vmax.f32 v0, $0.0e+00;
	[tilespmem:s19+$0x16840] =	vst v2  }
0x4e: {  	v59 =	vld [tilespmem:s18+$0x50];
	v7 =	vmul.f32 $3.333333430e-01, v54;
	v1 =	vmax.f32 v1, $0.0e+00;
	[tilespmem:s19+$0x16850] =	vst v0  }
0x4f: {  	v60 =	vld [tilespmem:s18+$0x60];
	v5 =	vmul.f32 $3.333333430e-01, v55;
	v8 =	vmax.f32 v8, $0.0e+00;
	[tilespmem:s19+$0x16860] =	vst v1  }
0x50: {  	v6 =	vmul.f32 $3.333333430e-01, v56;
	v61 =	vmax.f32 v7, $0.0e+00;
	[tilespmem:s18+$0x16870] =	vst v8  }
0x51: {  	v4 =	vmul.f32 $3.333333430e-01, v57;
	v5 =	vmax.f32 v5, $0.0e+00;
	[tilespmem:s18+$0x16800] =	vst v61  }
0x52: {  	s20 =	sadd.s32 s6, s17;
	v3 =	vmul.f32 $3.333333430e-01, v58;
	v62 =	vmax.f32 v6, $0.0e+00;
	[tilespmem:s18+$0x16810] =	vst v5  }
0x53: {  	v2 =	vmul.f32 $3.333333430e-01, v59;
	v4 =	vmax.f32 v4, $0.0e+00;
	s19 =	smul.u32 $0x28, s20;
	[tilespmem:s18+$0x16820] =	vst v62  }
0x54: {  	v0 =	vmul.f32 $3.333333430e-01, v60;
	v63 =	vmax.f32 v3, $0.0e+00;
	s20 =	sadd.s32 $0x3, s17;
	[tilespmem:s18+$0x16830] =	vst v4  }
0x55: {  	v2 =	vmax.f32 v2, $0.0e+00;
	[tilespmem:s18+$0x16840] =	vst v63;
	p0 =	sge.u32 s20, s7;
	s19 =	smin.u32 s19, $0x18678  }
0x56: {  	v0 =	vmax.f32 v0, $0.0e+00;
	[tilespmem:s18+$0x16850] =	vst v2;
	s20 =	sadd.s32 @!p0 s6, s20;
	s19 =	sshll.u32 s19, $0x4  }
0x57: {  	[tilespmem:s18+$0x16860] =	vst v0;
	s21 =	sadd.s32 s4, s19;
	s19 =	smul.u32 @!p0 $0x28, s20  }
0x58: {  	[hbm4b:s21+s5] =	stream.linear.scatter [tilespmem:s23], [sflag:$0x4], $0x1400, $0x38;
	[tilespmem:$0x1A400] =	vst v63  }
0x59: {  	s18 =	smin.u32 @!p0 s19, $0x18678  }
0x5a: {  	s8 =	simm.s32 @!p0 $0x0;
	s18 =	sshll.u32 @!p0 s18, $0x4  }
0x5b: {  	s20 =	simm.s32 @!p0 $0x1400;
	s21 =	simm.s32 @!p0 $0xC35000;
	s19 =	sadd.s32 @!p0 s1, s18  }
0x5c: {  	[tilespmem:s8], [sflag:$0x1] =	stream.strided.gather @!p0 [hbm4b:s19+s20], $0x3C00, s21, s20, $0x38;
	[tilespmem:$0x1A400] =	vst v63  }
0x5d: {  	s8 =	sadd.s32 @!p0 s3, s18;
	s18 =	simm.s32 @!p0 $0xB400  }
0x5e: {  	[tilespmem:s18], [sflag:$0x1] =	stream.strided.gather @!p0 [hbm4b:s8+s20], $0x3C00, s21, s20, $0x38;
	[tilespmem:$0x1A400] =	vst v63  }
.LBB2_6:
0x5f: {  	s18 =	sadd.s32 $0x1, s17  }
0x60: {  	p0 =	sge.u32 s18, s7  }
.Ltmp6:
0x61: {  	_ = 	snop;
	(pc) =	sbr.rel @p0 .LBB2_10-.Ltmp6, $1  }
0x62: {  	_ =	sdelay $0x3  }
0x63: {  	_ =	swait.ge [sflag:s24], $0x3C00  }
0x64: {  	[sflag:s24] =	ssyncset.done $0x0  }
0x65: {  	[sflag:s24] =	ssyncadd.s32 $0xFFFFC400  }
0x66: {  	_ =	swait.ge [sflag:s24], $0x3C00  }
0x67: {  	p0 =	seq.s32 s0, $0x0;
	[sflag:s24] =	ssyncset.done $0x0  }
0x68: {  	s8 =	simm.s32 @!p0 $0x5;
	[sflag:s24] =	ssyncadd.s32 $0xFFFFC400  }
0x69: {  	_ =	swait.ge @!p0 [sflag:s8], $0x1400  }
0x6a: {  	[sflag:s8] =	ssyncset.done @!p0 $0x0  }
0x6b: {  	s20 =	simm.s32 $0x0;
	[sflag:s8] =	ssyncadd.s32 @!p0 $0xFFFFEC00  }
0x6c: {  	v0 =	vld [tilespmem:s20+$0x3C70]  }
0x6d: {  	v1 =	vld [tilespmem:s20+$0x3C00]  }
0x6e: {  	v6 =	vld [tilespmem:s20+$0x3C10]  }
0x6f: {  	v4 =	vld [tilespmem:s20+$0x3C20]  }
0x70: {  	v3 =	vld [tilespmem:s20+$0x3C30]  }
0x71: {  	v2 =	vld [tilespmem:s20+$0x3C40];
	v7 =	vmul.f32 $3.333333430e-01, v0  }
0x72: {  	v0 =	vld [tilespmem:s20+$0x3C50];
	v5 =	vmul.f32 $3.333333430e-01, v1  }
0x73: {  	s19 =	simm.s32 $0x80;
	s21 =	simm.s32 $0x400;
	v1 =	vld [tilespmem:s20+$0x3C60];
	v6 =	vmul.f32 $3.333333430e-01, v6;
	v7 =	vmax.f32 v7, $0.0e+00  }
.LBB2_8:
0x74: {  	p0 =	sne.s32 s21, $0x4E00;
	v8 =	vld [tilespmem:s19+$0x3C70];
	v5 =	vmax.f32 v5, $0.0e+00;
	v4 =	vmul.f32 $3.333333430e-01, v4;
	[tilespmem:s20+$0x17C70] =	vst v7  }
0x75: {  	v7 =	vld [tilespmem:s19+$0x3C00];
	v6 =	vmax.f32 v6, $0.0e+00;
	v3 =	vmul.f32 $3.333333430e-01, v3;
	[tilespmem:s20+$0x17C00] =	vst v5  }
0x76: {  	v9 =	vld [tilespmem:s19+$0x3C10];
	v5 =	vmax.f32 v4, $0.0e+00;
	v2 =	vmul.f32 $3.333333430e-01, v2;
	[tilespmem:s20+$0x17C10] =	vst v6  }
.Ltmp7:
0x77: {  	v4 =	vld [tilespmem:s19+$0x3C20];
	v6 =	vmax.f32 v3, $0.0e+00;
	v0 =	vmul.f32 $3.333333430e-01, v0;
	[tilespmem:s20+$0x17C20] =	vst v5;
	(pc) =	sbr.rel @p0 .LBB2_8-.Ltmp7, $4  }
0x78: {  	v3 =	vld [tilespmem:s19+$0x3C30];
	v5 =	vmax.f32 v2, $0.0e+00;
	v1 =	vmul.f32 $3.333333430e-01, v1;
	[tilespmem:s20+$0x17C30] =	vst v6  }
0x79: {  	v2 =	vld [tilespmem:s19+$0x3C40];
	v8 =	vmul.f32 $3.333333430e-01, v8;
	v6 =	vmax.f32 v0, $0.0e+00;
	[tilespmem:s20+$0x17C40] =	vst v5  }
0x7a: {  	v0 =	vld [tilespmem:s19+$0x3C50];
	v5 =	vmul.f32 $3.333333430e-01, v7;
	v10 =	vmax.f32 v1, $0.0e+00;
	[tilespmem:s20+$0x17C50] =	vst v6  }
0x7b: {  	v1 =	vld [tilespmem:s19+$0x3C60];
	v6 =	vmul.f32 $3.333333430e-01, v9;
	v7 =	vmax.f32 v8, $0.0e+00;
	[tilespmem:s20+$0x17C60] =	vst v10;
	s20 =	smov.u32 s19;
	s19 =	sshra.s32 s21, $0x2;
	s21 =	sadd.s32 $0x200, s21  }
0x7c: {  	v8 =	vld [tilespmem:s19+$0x3C70];
	v5 =	vmax.f32 v5, $0.0e+00;
	v4 =	vmul.f32 $3.333333430e-01, v4;
	[tilespmem:s20+$0x17C70] =	vst v7  }
0x7d: {  	v54 =	vld [tilespmem:s19+$0x3C00];
	v6 =	vmax.f32 v6, $0.0e+00;
	v3 =	vmul.f32 $3.333333430e-01, v3;
	[tilespmem:s20+$0x17C00] =	vst v5  }
0x7e: {  	v55 =	vld [tilespmem:s19+$0x3C10];
	v4 =	vmax.f32 v4, $0.0e+00;
	v2 =	vmul.f32 $3.333333430e-01, v2;
	[tilespmem:s20+$0x17C10] =	vst v6  }
0x7f: {  	v56 =	vld [tilespmem:s19+$0x3C20];
	v3 =	vmax.f32 v3, $0.0e+00;
	v0 =	vmul.f32 $3.333333430e-01, v0;
	[tilespmem:s20+$0x17C20] =	vst v4  }
0x80: {  	v57 =	vld [tilespmem:s19+$0x3C30];
	v2 =	vmax.f32 v2, $0.0e+00;
	v1 =	vmul.f32 $3.333333430e-01, v1;
	[tilespmem:s20+$0x17C30] =	vst v3  }
0x81: {  	v58 =	vld [tilespmem:s19+$0x3C40];
	v8 =	vmul.f32 $3.333333430e-01, v8;
	v0 =	vmax.f32 v0, $0.0e+00;
	[tilespmem:s20+$0x17C40] =	vst v2  }
0x82: {  	v59 =	vld [tilespmem:s19+$0x3C50];
	v7 =	vmul.f32 $3.333333430e-01, v54;
	v1 =	vmax.f32 v1, $0.0e+00;
	[tilespmem:s20+$0x17C50] =	vst v0  }
0x83: {  	v60 =	vld [tilespmem:s19+$0x3C60];
	v5 =	vmul.f32 $3.333333430e-01, v55;
	v8 =	vmax.f32 v8, $0.0e+00;
	[tilespmem:s20+$0x17C60] =	vst v1  }
0x84: {  	v6 =	vmul.f32 $3.333333430e-01, v56;
	v61 =	vmax.f32 v7, $0.0e+00;
	[tilespmem:s19+$0x17C70] =	vst v8  }
0x85: {  	v4 =	vmul.f32 $3.333333430e-01, v57;
	v5 =	vmax.f32 v5, $0.0e+00;
	[tilespmem:s19+$0x17C00] =	vst v61  }
0x86: {  	s8 =	sadd.s32 s6, s18;
	v3 =	vmul.f32 $3.333333430e-01, v58;
	v62 =	vmax.f32 v6, $0.0e+00;
	[tilespmem:s19+$0x17C10] =	vst v5  }
0x87: {  	s8 =	smul.u32 $0x28, s8;
	v2 =	vmul.f32 $3.333333430e-01, v59;
	v4 =	vmax.f32 v4, $0.0e+00;
	[tilespmem:s19+$0x17C20] =	vst v62  }
0x88: {  	s18 =	sadd.s32 $0x4, s17;
	v0 =	vmul.f32 $3.333333430e-01, v60;
	v63 =	vmax.f32 v3, $0.0e+00;
	[tilespmem:s19+$0x17C30] =	vst v4  }
0x89: {  	p0 =	sge.u32 s18, s7;
	s8 =	smin.u32 s8, $0x18678;
	v2 =	vmax.f32 v2, $0.0e+00;
	[tilespmem:s19+$0x17C40] =	vst v63  }
0x8a: {  	s18 =	sadd.s32 @!p0 s6, s18;
	s8 =	sshll.u32 s8, $0x4;
	v0 =	vmax.f32 v0, $0.0e+00;
	[tilespmem:s19+$0x17C50] =	vst v2  }
0x8b: {  	s18 =	smul.u32 @!p0 $0x28, s18;
	s8 =	sadd.s32 s4, s8;
	[tilespmem:s19+$0x17C60] =	vst v0  }
0x8c: {  	[hbm4b:s8+s5] =	stream.linear.scatter [tilespmem:s25], [sflag:$0x5], $0x1400, $0x38;
	[tilespmem:$0x1A400] =	vst v63  }
0x8d: {  	s8 =	smin.u32 @!p0 s18, $0x18678  }
0x8e: {  	s21 =	simm.s32 @!p0 $0x3C00;
	s8 =	sshll.u32 @!p0 s8, $0x4  }
0x8f: {  	s20 =	simm.s32 @!p0 $0xC35000;
	s19 =	simm.s32 @!p0 $0x1400;
	s18 =	sadd.s32 @!p0 s1, s8  }
0x90: {  	[tilespmem:s21], [sflag:$0x2] =	stream.strided.gather @!p0 [hbm4b:s18+s19], $0x3C00, s20, s19, $0x38;
	[tilespmem:$0x1A400] =	vst v63  }
0x91: {  	s8 =	sadd.s32 @!p0 s3, s8;
	s18 =	simm.s32 @!p0 $0xF000  }
0x92: {  	[tilespmem:s18], [sflag:$0x2] =	stream.strided.gather @!p0 [hbm4b:s8+s19], $0x3C00, s20, s19, $0x38;
	[tilespmem:$0x1A400] =	vst v63  }
.LBB2_10:
0x93: {  	s18 =	sadd.s32 $0x2, s17  }
0x94: {  	p0 =	sge.u32 s18, s7  }
.Ltmp8:
0x95: {  	_ = 	snop;
	(pc) =	sbr.rel @p0 .LBB2_14-.Ltmp8, $1  }
0x96: {  	_ =	sdelay $0x3  }
0x97: {  	_ =	swait.ge [sflag:s26], $0x3C00  }
0x98: {  	[sflag:s26] =	ssyncset.done $0x0  }
0x99: {  	[sflag:s26] =	ssyncadd.s32 $0xFFFFC400  }
0x9a: {  	_ =	swait.ge [sflag:s26], $0x3C00  }
0x9b: {  	p0 =	seq.s32 s0, $0x0;
	[sflag:s26] =	ssyncset.done $0x0  }
0x9c: {  	s8 =	simm.s32 @!p0 $0x6;
	[sflag:s26] =	ssyncadd.s32 $0xFFFFC400  }
0x9d: {  	_ =	swait.ge @!p0 [sflag:s8], $0x1400  }
0x9e: {  	[sflag:s8] =	ssyncset.done @!p0 $0x0  }
0x9f: {  	s20 =	simm.s32 $0x0;
	[sflag:s8] =	ssyncadd.s32 @!p0 $0xFFFFEC00  }
0xa0: {  	v0 =	vld [tilespmem:s20+$0x7870]  }
0xa1: {  	v1 =	vld [tilespmem:s20+$0x7800]  }
0xa2: {  	v6 =	vld [tilespmem:s20+$0x7810]  }
0xa3: {  	v4 =	vld [tilespmem:s20+$0x7820]  }
0xa4: {  	v3 =	vld [tilespmem:s20+$0x7830]  }
0xa5: {  	v2 =	vld [tilespmem:s20+$0x7840];
	v7 =	vmul.f32 $3.333333430e-01, v0  }
0xa6: {  	v0 =	vld [tilespmem:s20+$0x7850];
	v5 =	vmul.f32 $3.333333430e-01, v1  }
0xa7: {  	s19 =	simm.s32 $0x80;
	s21 =	simm.s32 $0x400;
	v1 =	vld [tilespmem:s20+$0x7860];
	v6 =	vmul.f32 $3.333333430e-01, v6;
	v7 =	vmax.f32 v7, $0.0e+00  }
.LBB2_12:
0xa8: {  	p0 =	sne.s32 s21, $0x4E00;
	v8 =	vld [tilespmem:s19+$0x7870];
	v5 =	vmax.f32 v5, $0.0e+00;
	v4 =	vmul.f32 $3.333333430e-01, v4;
	[tilespmem:s20+$0x19070] =	vst v7  }
0xa9: {  	v7 =	vld [tilespmem:s19+$0x7800];
	v6 =	vmax.f32 v6, $0.0e+00;
	v3 =	vmul.f32 $3.333333430e-01, v3;
	[tilespmem:s20+$0x19000] =	vst v5  }
0xaa: {  	v9 =	vld [tilespmem:s19+$0x7810];
	v5 =	vmax.f32 v4, $0.0e+00;
	v2 =	vmul.f32 $3.333333430e-01, v2;
	[tilespmem:s20+$0x19010] =	vst v6  }
.Ltmp9:
0xab: {  	v4 =	vld [tilespmem:s19+$0x7820];
	v6 =	vmax.f32 v3, $0.0e+00;
	v0 =	vmul.f32 $3.333333430e-01, v0;
	[tilespmem:s20+$0x19020] =	vst v5;
	(pc) =	sbr.rel @p0 .LBB2_12-.Ltmp9, $4  }
0xac: {  	v3 =	vld [tilespmem:s19+$0x7830];
	v5 =	vmax.f32 v2, $0.0e+00;
	v1 =	vmul.f32 $3.333333430e-01, v1;
	[tilespmem:s20+$0x19030] =	vst v6  }
0xad: {  	v2 =	vld [tilespmem:s19+$0x7840];
	v8 =	vmul.f32 $3.333333430e-01, v8;
	v6 =	vmax.f32 v0, $0.0e+00;
	[tilespmem:s20+$0x19040] =	vst v5  }
0xae: {  	v0 =	vld [tilespmem:s19+$0x7850];
	v5 =	vmul.f32 $3.333333430e-01, v7;
	v10 =	vmax.f32 v1, $0.0e+00;
	[tilespmem:s20+$0x19050] =	vst v6  }
0xaf: {  	v1 =	vld [tilespmem:s19+$0x7860];
	v6 =	vmul.f32 $3.333333430e-01, v9;
	v7 =	vmax.f32 v8, $0.0e+00;
	[tilespmem:s20+$0x19060] =	vst v10;
	s20 =	smov.u32 s19;
	s19 =	sshra.s32 s21, $0x2;
	s21 =	sadd.s32 $0x200, s21  }
0xb0: {  	v8 =	vld [tilespmem:s19+$0x7870];
	v5 =	vmax.f32 v5, $0.0e+00;
	v4 =	vmul.f32 $3.333333430e-01, v4;
	[tilespmem:s20+$0x19070] =	vst v7  }
0xb1: {  	v54 =	vld [tilespmem:s19+$0x7800];
	v6 =	vmax.f32 v6, $0.0e+00;
	v3 =	vmul.f32 $3.333333430e-01, v3;
	[tilespmem:s20+$0x19000] =	vst v5  }
0xb2: {  	v55 =	vld [tilespmem:s19+$0x7810];
	v4 =	vmax.f32 v4, $0.0e+00;
	v2 =	vmul.f32 $3.333333430e-01, v2;
	[tilespmem:s20+$0x19010] =	vst v6  }
0xb3: {  	v56 =	vld [tilespmem:s19+$0x7820];
	v3 =	vmax.f32 v3, $0.0e+00;
	v0 =	vmul.f32 $3.333333430e-01, v0;
	[tilespmem:s20+$0x19020] =	vst v4  }
0xb4: {  	v57 =	vld [tilespmem:s19+$0x7830];
	v2 =	vmax.f32 v2, $0.0e+00;
	v1 =	vmul.f32 $3.333333430e-01, v1;
	[tilespmem:s20+$0x19030] =	vst v3  }
0xb5: {  	v58 =	vld [tilespmem:s19+$0x7840];
	v8 =	vmul.f32 $3.333333430e-01, v8;
	v0 =	vmax.f32 v0, $0.0e+00;
	[tilespmem:s20+$0x19040] =	vst v2  }
0xb6: {  	v59 =	vld [tilespmem:s19+$0x7850];
	v7 =	vmul.f32 $3.333333430e-01, v54;
	v1 =	vmax.f32 v1, $0.0e+00;
	[tilespmem:s20+$0x19050] =	vst v0  }
0xb7: {  	v60 =	vld [tilespmem:s19+$0x7860];
	v5 =	vmul.f32 $3.333333430e-01, v55;
	v8 =	vmax.f32 v8, $0.0e+00;
	[tilespmem:s20+$0x19060] =	vst v1  }
0xb8: {  	v6 =	vmul.f32 $3.333333430e-01, v56;
	v61 =	vmax.f32 v7, $0.0e+00;
	[tilespmem:s19+$0x19070] =	vst v8  }
0xb9: {  	v4 =	vmul.f32 $3.333333430e-01, v57;
	v5 =	vmax.f32 v5, $0.0e+00;
	[tilespmem:s19+$0x19000] =	vst v61  }
0xba: {  	s8 =	sadd.s32 s6, s18;
	v3 =	vmul.f32 $3.333333430e-01, v58;
	v62 =	vmax.f32 v6, $0.0e+00;
	[tilespmem:s19+$0x19010] =	vst v5  }
0xbb: {  	s8 =	smul.u32 $0x28, s8;
	v2 =	vmul.f32 $3.333333430e-01, v59;
	v4 =	vmax.f32 v4, $0.0e+00;
	[tilespmem:s19+$0x19020] =	vst v62  }
0xbc: {  	s17 =	sadd.s32 $0x5, s17;
	v0 =	vmul.f32 $3.333333430e-01, v60;
	v63 =	vmax.f32 v3, $0.0e+00;
	[tilespmem:s19+$0x19030] =	vst v4  }
0xbd: {  	p0 =	sge.u32 s17, s7;
	s8 =	smin.u32 s8, $0x18678;
	v2 =	vmax.f32 v2, $0.0e+00;
	[tilespmem:s19+$0x19040] =	vst v63  }
0xbe: {  	s17 =	sadd.s32 @!p0 s6, s17;
	s8 =	sshll.u32 s8, $0x4;
	v0 =	vmax.f32 v0, $0.0e+00;
	[tilespmem:s19+$0x19050] =	vst v2  }
0xbf: {  	s17 =	smul.u32 @!p0 $0x28, s17;
	s8 =	sadd.s32 s4, s8;
	[tilespmem:s19+$0x19060] =	vst v0  }
0xc0: {  	[hbm4b:s8+s5] =	stream.linear.scatter [tilespmem:s28], [sflag:$0x6], $0x1400, $0x38;
	[tilespmem:$0x1A400] =	vst v63  }
0xc1: {  	s8 =	smin.u32 @!p0 s17, $0x18678  }
.Ltmp10:
0xc2: {  	s18 =	simm.s32 @!p0 $0x1400;
	s8 =	sshll.u32 @!p0 s8, $0x4;
	(pc) =	sbr.rel .LBB2_14-.Ltmp10, $4  }
0xc3: {  	s20 =	simm.s32 @!p0 $0x7800;
	s19 =	simm.s32 @!p0 $0xC35000;
	s17 =	sadd.s32 @!p0 s1, s8  }
0xc4: {  	[tilespmem:s20], [sflag:$0x3] =	stream.strided.gather @!p0 [hbm4b:s17+s18], $0x3C00, s19, s18, $0x38;
	[tilespmem:$0x1A400] =	vst v63  }
0xc5: {  	s8 =	sadd.s32 @!p0 s3, s8;
	s17 =	simm.s32 @!p0 $0x12C00  }
0xc6: {  	[tilespmem:s17], [sflag:$0x3] =	stream.strided.gather @!p0 [hbm4b:s8+s18], $0x3C00, s19, s18, $0x38;
	[tilespmem:$0x1A400] =	vst v63  }
.LBB2_16:
0xc7: {  	_ =	sfence.sel $0x180000  }
0xc8: {  	[bflag:$0x0] =	sbarrier.arrive $0xFFFF  }
0xc9: {  	_ =	strace $0x90000047  }
0xca: {  	s0 =	stileid.u32;
	[bflag:$0x2] =	sbarrier.arrive $0xFFFF  }
0xcb: {  	p0 =	sne.s32 s0, $0x0;
	s0 =	rddreg [dreg:$0x3]  }
0xcc: {  	s0 =	sadd.s32 @!p0 $0x100000, s0  }
0xcd: {  	[sflag:s0] =	ssyncadd.tile.s32 @!p0 $0x1;
	_ =	shalt  }
.Lfunc_end2:
_tile_overlayer_lowered:
.L_overlay_start_2:
0xce: {  	(tag) =	ssettag $0x2  }
0xcf: {  	s0 =	rddreg [dreg:$0x0];
	s2 =	stileid.u32  }
0xd0: {  	s1 =	rddreg [dreg:$0x1];
	p0 =	sne.s32 s2, $0x0  }
0xd1: {  	s3 =	rddreg [dreg:$0x2];
	[bflag:$0x3] =	sbarrier.arrive $0xFFFF;
	s2 =	simm.s32 @!p0 $0x1C07  }
0xd2: {  	[timem:s3], [sflag:s2] =	dma.local @!p0 [hbm:s0], s1  }
0xd3: {  	s0 =	simm.s32 @!p0 $0x7  }
0xd4: {  	_ =	swait.ge @!p0 [sflag:s0], s1  }
0xd5: {  	s1 =	ssub.s32 @!p0 $0x0, s1;
	[sflag:s0] =	ssyncset.done @!p0 $0x0  }
0xd6: {  	[sflag:s0] =	ssyncadd.s32 @!p0 s1  }
0xd7: {  	[bflag:$0x3] =	sbarrier.arrive $0xFFFF  }
0xd8: {  	_ =	shalt  }

</sc_bundles>
